<compile_context>
chip_gen: v7x
topology: tpu7x:2x2x1
jax: 0.10.2.dev20260603
libtpu: 0.0.44.dev20260713+nightly
codegen_flags: <defaults>
</compile_context>

<pallas_src>
import jax
import jax.numpy as jnp
from jax import lax
from jax.experimental import pallas as pl
from jax.experimental.pallas import tpu as pltpu
from jax.experimental.pallas import tpu_sc as plsc

BETA = 0.7
LAMB = 3.0
NUMV = 1000000
CLS = 100
PAD = 128
BATCH = 16384

_NC = 2
_NS = 16
_NWORK = _NC * _NS
_CHUNK = BATCH // _NWORK
_WIN = 128
_SHARD = 62504
_IWIN = 4096
_UNR = 4



def _probs_body(out_t_ref, y_ref):
    x = out_t_ref[...]
    m = jnp.max(x, axis=0, keepdims=True)
    e = jnp.exp(x - m)
    p = e / jnp.sum(e, axis=0, keepdims=True)
    y = jnp.clip(p, 0.0001, 1.0 - 0.0001)
    s = jnp.sum(y, axis=0, keepdims=True)
    z = jnp.concatenate([y, s], axis=0)
    r = lax.broadcasted_iota(jnp.int32, (CLS + 1, PAD), 0)
    c = lax.broadcasted_iota(jnp.int32, (CLS + 1, PAD), 1)
    eye = jnp.where(r == c, 1.0, 0.0).astype(jnp.float32)
    y_ref[...] = lax.dot_general(z, eye, (((0,), (0,)), ((), ())),
                                 precision=lax.Precision.HIGHEST)


def _probs(outputs):
    rows = 4096
    grid = BATCH // rows
    return pl.pallas_call(
        _probs_body,
        grid=(grid,),
        in_specs=[pl.BlockSpec((CLS, rows), lambda i: (0, i))],
        out_specs=pl.BlockSpec((rows, PAD), lambda i: (i, 0)),
        out_shape=jax.ShapeDtypeStruct((BATCH, PAD), jnp.float32),
    )(outputs.T)



def _sc_table_body(idx_hbm, pos_hbm, idxw0, idxw1, pos, shf, sem0, sem1):
    s = lax.axis_index("s")
    lane = lax.iota(jnp.int32, 16)
    lo = s * _SHARD
    intmax = jnp.int32(2**31 - 1)
    nwin = BATCH // _IWIN
    bufs = (idxw0, idxw1)
    sems = (sem0, sem1)

    def windows(body_fn):
        descs = [None, None]
        descs[0] = pltpu.async_copy(idx_hbm.at[pl.ds(0, _IWIN)], bufs[0],
                                    sems[0])
        for w in range(nwin):
            if w + 1 < nwin:
                nb = (w + 1) % 2
                descs[nb] = pltpu.async_copy(
                    idx_hbm.at[pl.ds((w + 1) * _IWIN, _IWIN)], bufs[nb],
                    sems[nb])
            descs[w % 2].wait()
            body_fn(bufs[w % 2], w)

    def scan_window(buf, w):
        def scan_body(t, dirty):
            for u in range(_UNR):
                o = t * (16 * _UNR) + u * 16
                v = buf[pl.ds(o, 16)]
                owned = (v >= lo) & (v < lo + _SHARD)
                vi = jnp.where(owned, v - lo, 0)
                j = w * _IWIN + o + lane
                plsc.store_scatter(pos, [vi], j, mask=owned)
                r = plsc.load_gather(pos, [vi], mask=owned)
                dirty = dirty | (owned & (r < j))
            return dirty

        dirty = lax.fori_loop(0, _IWIN // (16 * _UNR), scan_body,
                              jnp.zeros((16,), jnp.bool_))

        @pl.when(jnp.max(dirty.astype(jnp.int32)) > 0)
        def _():
            def sort_body(t, carry):
                v = buf[pl.ds(t * 16, 16)]
                owned = (v >= lo) & (v < lo + _SHARD)
                key = jnp.where(owned, v * 16 + lane, intmax)
                j = w * _IWIN + t * 16 + lane
                ks, js = plsc.sort_key_val(key, j)
                vs = ks >> 4
                shf[pl.ds(0, 16)] = vs
                nxt = shf[pl.ds(1, 16)]
                keep = (ks != intmax) & ((lane == 15) | (vs != nxt))
                plsc.store_scatter(pos, [jnp.where(keep, vs - lo, 0)], js,
                                   mask=keep)
                return carry

            lax.fori_loop(0, _IWIN // 16, sort_body, 0)

    windows(scan_window)

    pltpu.sync_copy(pos, pos_hbm.at[pl.ds(lo, _SHARD)])



def _sc_gather_body(idx_hbm, y_hbm, pos_hbm, nw_hbm, idxc, wv, nwb0, nwb1,
                    semw, sem0, sem1):
    c = lax.axis_index("c")
    s = lax.axis_index("s")
    wid = s * _NC + c
    base = wid * _CHUNK
    nbufs = (nwb0, nwb1)
    sems = (sem0, sem1)
    nwnd = _CHUNK // _WIN

    pltpu.sync_copy(idx_hbm.at[pl.ds(base, _CHUNK)], idxc)
    dws = [
        pltpu.async_copy(pos_hbm.at[idxc.at[pl.ds(k * _WIN, _WIN)]],
                         wv.at[pl.ds(k * _WIN, _WIN)], semw)
        for k in range(nwnd)
    ]
    for d in dws:
        d.wait()
    drs = [None, None]
    for k in range(nwnd):
        drs[k % 2] = pltpu.async_copy(
            y_hbm.at[wv.at[pl.ds(k * _WIN, _WIN)]], nbufs[k % 2],
            sems[k % 2])
        if k > 0:
            drs[(k - 1) % 2].wait()
            pltpu.sync_copy(nbufs[(k - 1) % 2],
                            nw_hbm.at[pl.ds(base + (k - 1) * _WIN, _WIN)])
    drs[(nwnd - 1) % 2].wait()
    pltpu.sync_copy(nbufs[(nwnd - 1) % 2],
                    nw_hbm.at[pl.ds(base + (nwnd - 1) * _WIN, _WIN)])


def _sc_winner_gather(index, y128):
    mesh = plsc.VectorSubcoreMesh(core_axis_name="c", subcore_axis_name="s")
    table = pl.kernel(
        _sc_table_body,
        out_type=jax.ShapeDtypeStruct((_NS * _SHARD,), jnp.int32),
        mesh=mesh,
        compiler_params=pltpu.CompilerParams(needs_layout_passes=False),
        scratch_types=[
            pltpu.VMEM((_IWIN,), jnp.int32),
            pltpu.VMEM((_IWIN,), jnp.int32),
            pltpu.VMEM((_SHARD,), jnp.int32),
            pltpu.VMEM((32,), jnp.int32),
            pltpu.SemaphoreType.DMA,
            pltpu.SemaphoreType.DMA,
        ],
    )
    gather = pl.kernel(
        _sc_gather_body,
        out_type=jax.ShapeDtypeStruct((BATCH, PAD), jnp.float32),
        mesh=mesh,
        compiler_params=pltpu.CompilerParams(needs_layout_passes=False),
        scratch_types=[
            pltpu.VMEM((_CHUNK,), jnp.int32),
            pltpu.VMEM((_CHUNK,), jnp.int32),
            pltpu.VMEM((_WIN, PAD), jnp.float32),
            pltpu.VMEM((_WIN, PAD), jnp.float32),
            pltpu.SemaphoreType.DMA,
            pltpu.SemaphoreType.DMA,
            pltpu.SemaphoreType.DMA,
        ],
    )
    pos_hbm = table(index)
    return gather(index, y128, pos_hbm)



def _loss_body(y_ref, nw_ref, acc_ref):
    i = pl.program_id(0)
    y = y_ref[...]
    nw = nw_ref[...]
    dot = jnp.sum(nw[:, :CLS] * y[:, :CLS], axis=1, keepdims=True)
    sw = nw[:, CLS:CLS + 1]
    t = (1.0 - BETA) * dot / sw
    part = jnp.sum(jnp.log(1.0 - t)).reshape(1, 1)

    @pl.when(i == 0)
    def _():
        acc_ref[...] = jnp.zeros((1, 1), jnp.float32)

    acc_ref[...] += part


def _loss(y128, nw):
    rows = 4096
    grid = BATCH // rows
    return pl.pallas_call(
        _loss_body,
        grid=(grid,),
        in_specs=[pl.BlockSpec((rows, PAD), lambda i: (i, 0))] * 2,
        out_specs=pl.BlockSpec((1, 1), lambda i: (0, 0)),
        out_shape=jax.ShapeDtypeStruct((1, 1), jnp.float32),
    )(y128, nw)


def kernel(index, outputs, ema):
    y128 = _probs(outputs)
    nw = _sc_winner_gather(index, y128)
    acc = _loss(y128, nw)
    return (LAMB / BATCH) * acc[0, 0]

# --- scband reference (transcript-rebuilt; emitter-appended) ---
"""Pipeline reference for scband-elr-loss-72610717106749 (READ-ONLY COPY).

The authoritative reference and input builder live on the scoring server;
editing this copy changes nothing except your own understanding.
"""

import jax, jax.numpy as jnp
import numpy as np

BETA = 0.7
LAMB = 3.0
NUM = 1000000
CLS = 100
BATCH = 16384


def setup_inputs(seed: int = 0) -> dict:
    key = jax.random.key(seed)
    k1, k2 = jax.random.split(key, 2)
    index = jax.random.randint(k1, (BATCH,), 0, NUM, dtype=jnp.int32)
    outputs = jax.random.normal(k2, (BATCH, CLS), dtype=jnp.float32)
    # EMA buffer initialized to zeros, matching torch.zeros(num, cls)
    ema = jnp.zeros((NUM, CLS), dtype=jnp.float32)
    return {"index": index, "outputs": outputs, "ema": ema}


def reference(index, outputs, ema):
    y_pred = jax.nn.softmax(outputs, axis=1)
    y_pred = jnp.clip(y_pred, 0.0001, 1.0 - 0.0001)
    y_pred_ = jax.lax.stop_gradient(y_pred)
    norm = y_pred_ / y_pred_.sum(axis=1, keepdims=True)
    # gather current EMA rows, compute updated rows
    updated = BETA * ema[index] + (1.0 - BETA) * norm
    # scatter-overwrite into the EMA buffer (in torch: self.ema[index] = ...)
    ema_new = ema.at[index].set(updated)
    # re-gather after the write, matching torch's self.ema[index] read
    gathered = ema_new[index]
    elr_reg = jnp.log(1.0 - (gathered * y_pred).sum(axis=1)).mean()
    final_loss = LAMB * elr_reg
    return final_loss

if __name__ == "__main__":
    import jax
    _d = setup_inputs()
    print(jax.jit(kernel)(*tuple(_d.values())))

</pallas_src>

<mosaic_0001>
#map = affine_map<(d0, d1) -> (0)>
#map1 = affine_map<(d0, d1) -> (0, 0)>
module attributes {stable_mosaic.version = 14 : i64} {
  func.func @_sc_gather_body(%arg0: i32, %arg1: i32, %arg2: memref<16384xi32, #tpu.memory_space<hbm>>, %arg3: memref<16384x128xf32, #tpu.memory_space<hbm>>, %arg4: memref<1000064xi32, #tpu.memory_space<hbm>>, %arg5: memref<16384x128xf32, #tpu.memory_space<hbm>>, %arg6: memref<512xi32, #tpu.memory_space<vmem>>, %arg7: memref<512xi32, #tpu.memory_space<vmem>>, %arg8: memref<128x128xf32, #tpu.memory_space<vmem>>, %arg9: memref<128x128xf32, #tpu.memory_space<vmem>>, %arg10: memref<!tpu.dma_semaphore, #tpu.memory_space<semaphore_mem>>, %arg11: memref<!tpu.dma_semaphore, #tpu.memory_space<semaphore_mem>>, %arg12: memref<!tpu.dma_semaphore, #tpu.memory_space<semaphore_mem>>) attributes {dimension_semantics = [#tpu.dimension_semantics<core_parallel>, #tpu.dimension_semantics<subcore_parallel>], iteration_bounds = array<i64: 2, 16>, scalar_prefetch = 0 : i64, scratch_operands = 7 : i64, tpu.core_type = #tpu.core_type<sc_vector_subcore>, window_params = [{transform_indices = #map}, {transform_indices = #map1}, {transform_indices = #map}, {transform_indices = #map1}]} {
    %mul3A = arith.constant 2 : i32
    %mul3A_0 = arith.muli %arg1, %mul3A : i32
    %add3A = arith.addi %mul3A_0, %arg0 : i32
    %mul3A_1 = arith.constant 512 : i32
    %mul3A_2 = arith.muli %add3A, %mul3A_1 : i32
    "tpu.region"() ({
      %run_scoped3A = tpu.sem_alloc : memref<!tpu.dma_semaphore, #tpu.memory_space<semaphore_mem>>
      %dma_start3A_97 = tpu.memref_slice %arg2[%mul3A_2] : memref<16384xi32, #tpu.memory_space<hbm>> -> memref<512xi32, #tpu.memory_space<hbm>>
      %dma_start3A_98 = tpu.memref_slice %arg2[%mul3A_2] : memref<16384xi32, #tpu.memory_space<hbm>> -> memref<512xi32, #tpu.memory_space<hbm>>
      tpu.enqueue_dma source(%dma_start3A_98 : memref<512xi32, #tpu.memory_space<hbm>>) target(%arg6 : memref<512xi32, #tpu.memory_space<vmem>>) target_semaphore(%run_scoped3A : memref<!tpu.dma_semaphore, #tpu.memory_space<semaphore_mem>>)
      %dma_wait3A_99 = tpu.memref_slice %arg2[%mul3A_2] : memref<16384xi32, #tpu.memory_space<hbm>> -> memref<512xi32, #tpu.memory_space<hbm>>
      %dma_wait3A_100 = tpu.memref_slice %arg2[%mul3A_2] : memref<16384xi32, #tpu.memory_space<hbm>> -> memref<512xi32, #tpu.memory_space<hbm>>
      tpu.wait_dma2 semaphore(%run_scoped3A : memref<!tpu.dma_semaphore, #tpu.memory_space<semaphore_mem>>) src(%dma_wait3A_100 : memref<512xi32, #tpu.memory_space<hbm>>) dst(%arg6 : memref<512xi32, #tpu.memory_space<vmem>>)
      tpu.yield
    }) : () -> ()
    %dma_start3A = arith.constant 0 : i32
    %dma_start3A_3 = tpu.memref_slice %arg7[%dma_start3A] : memref<512xi32, #tpu.memory_space<vmem>> -> memref<128xi32, #tpu.memory_space<vmem>>
    %dma_start3A_4 = arith.constant 0 : i32
    %dma_start3A_5 = tpu.memref_slice %arg6[%dma_start3A_4] : memref<512xi32, #tpu.memory_space<vmem>> -> memref<128xi32, #tpu.memory_space<vmem>>
    %dma_start3A_6 = arith.constant 0 : i32
    %dma_start3A_7 = tpu.memref_slice %arg4[%dma_start3A_6] : memref<1000064xi32, #tpu.memory_space<hbm>> -> memref<1000064xi32, #tpu.memory_space<hbm>>
    tpu.enqueue_indirect_dma source(%dma_start3A_7 : memref<1000064xi32, #tpu.memory_space<hbm>>) target(%dma_start3A_3 : memref<128xi32, #tpu.memory_space<vmem>>) offsets(%dma_start3A_5 : memref<128xi32, #tpu.memory_space<vmem>>) semaphore(%arg10 : memref<!tpu.dma_semaphore, #tpu.memory_space<semaphore_mem>>)
    %dma_start3A_8 = arith.constant 128 : i32
    %dma_start3A_9 = tpu.memref_slice %arg7[%dma_start3A_8] : memref<512xi32, #tpu.memory_space<vmem>> -> memref<128xi32, #tpu.memory_space<vmem>>
    %dma_start3A_10 = arith.constant 128 : i32
    %dma_start3A_11 = tpu.memref_slice %arg6[%dma_start3A_10] : memref<512xi32, #tpu.memory_space<vmem>> -> memref<128xi32, #tpu.memory_space<vmem>>
    %dma_start3A_12 = arith.constant 0 : i32
    %dma_start3A_13 = tpu.memref_slice %arg4[%dma_start3A_12] : memref<1000064xi32, #tpu.memory_space<hbm>> -> memref<1000064xi32, #tpu.memory_space<hbm>>
    tpu.enqueue_indirect_dma source(%dma_start3A_13 : memref<1000064xi32, #tpu.memory_space<hbm>>) target(%dma_start3A_9 : memref<128xi32, #tpu.memory_space<vmem>>) offsets(%dma_start3A_11 : memref<128xi32, #tpu.memory_space<vmem>>) semaphore(%arg10 : memref<!tpu.dma_semaphore, #tpu.memory_space<semaphore_mem>>)
    %dma_start3A_14 = arith.constant 256 : i32
    %dma_start3A_15 = tpu.memref_slice %arg7[%dma_start3A_14] : memref<512xi32, #tpu.memory_space<vmem>> -> memref<128xi32, #tpu.memory_space<vmem>>
    %dma_start3A_16 = arith.constant 256 : i32
    %dma_start3A_17 = tpu.memref_slice %arg6[%dma_start3A_16] : memref<512xi32, #tpu.memory_space<vmem>> -> memref<128xi32, #tpu.memory_space<vmem>>
    %dma_start3A_18 = arith.constant 0 : i32
    %dma_start3A_19 = tpu.memref_slice %arg4[%dma_start3A_18] : memref<1000064xi32, #tpu.memory_space<hbm>> -> memref<1000064xi32, #tpu.memory_space<hbm>>
    tpu.enqueue_indirect_dma source(%dma_start3A_19 : memref<1000064xi32, #tpu.memory_space<hbm>>) target(%dma_start3A_15 : memref<128xi32, #tpu.memory_space<vmem>>) offsets(%dma_start3A_17 : memref<128xi32, #tpu.memory_space<vmem>>) semaphore(%arg10 : memref<!tpu.dma_semaphore, #tpu.memory_space<semaphore_mem>>)
    %dma_start3A_20 = arith.constant 384 : i32
    %dma_start3A_21 = tpu.memref_slice %arg7[%dma_start3A_20] : memref<512xi32, #tpu.memory_space<vmem>> -> memref<128xi32, #tpu.memory_space<vmem>>
    %dma_start3A_22 = arith.constant 384 : i32
    %dma_start3A_23 = tpu.memref_slice %arg6[%dma_start3A_22] : memref<512xi32, #tpu.memory_space<vmem>> -> memref<128xi32, #tpu.memory_space<vmem>>
    %dma_start3A_24 = arith.constant 0 : i32
    %dma_start3A_25 = tpu.memref_slice %arg4[%dma_start3A_24] : memref<1000064xi32, #tpu.memory_space<hbm>> -> memref<1000064xi32, #tpu.memory_space<hbm>>
    tpu.enqueue_indirect_dma source(%dma_start3A_25 : memref<1000064xi32, #tpu.memory_space<hbm>>) target(%dma_start3A_21 : memref<128xi32, #tpu.memory_space<vmem>>) offsets(%dma_start3A_23 : memref<128xi32, #tpu.memory_space<vmem>>) semaphore(%arg10 : memref<!tpu.dma_semaphore, #tpu.memory_space<semaphore_mem>>)
    %dma_wait3A = arith.constant 0 : i32
    %dma_wait3A_26 = tpu.memref_slice %arg7[%dma_wait3A] : memref<512xi32, #tpu.memory_space<vmem>> -> memref<128xi32, #tpu.memory_space<vmem>>
    %dma_wait3A_27 = arith.constant 0 : i32
    %dma_wait3A_28 = tpu.memref_slice %arg6[%dma_wait3A_27] : memref<512xi32, #tpu.memory_space<vmem>> -> memref<128xi32, #tpu.memory_space<vmem>>
    %dma_wait3A_29 = arith.constant 0 : i32
    %dma_wait3A_30 = tpu.memref_slice %arg4[%dma_wait3A_29] : memref<1000064xi32, #tpu.memory_space<hbm>> -> memref<1000064xi32, #tpu.memory_space<hbm>>
    tpu.wait_indirect_dma semaphore(%arg10 : memref<!tpu.dma_semaphore, #tpu.memory_space<semaphore_mem>>) src(%dma_wait3A_30 : memref<1000064xi32, #tpu.memory_space<hbm>>) dst(%dma_wait3A_26 : memref<128xi32, #tpu.memory_space<vmem>>)
    %dma_wait3A_31 = arith.constant 128 : i32
    %dma_wait3A_32 = tpu.memref_slice %arg7[%dma_wait3A_31] : memref<512xi32, #tpu.memory_space<vmem>> -> memref<128xi32, #tpu.memory_space<vmem>>
    %dma_wait3A_33 = arith.constant 128 : i32
    %dma_wait3A_34 = tpu.memref_slice %arg6[%dma_wait3A_33] : memref<512xi32, #tpu.memory_space<vmem>> -> memref<128xi32, #tpu.memory_space<vmem>>
    %dma_wait3A_35 = arith.constant 0 : i32
    %dma_wait3A_36 = tpu.memref_slice %arg4[%dma_wait3A_35] : memref<1000064xi32, #tpu.memory_space<hbm>> -> memref<1000064xi32, #tpu.memory_space<hbm>>
    tpu.wait_indirect_dma semaphore(%arg10 : memref<!tpu.dma_semaphore, #tpu.memory_space<semaphore_mem>>) src(%dma_wait3A_36 : memref<1000064xi32, #tpu.memory_space<hbm>>) dst(%dma_wait3A_32 : memref<128xi32, #tpu.memory_space<vmem>>)
    %dma_wait3A_37 = arith.constant 256 : i32
    %dma_wait3A_38 = tpu.memref_slice %arg7[%dma_wait3A_37] : memref<512xi32, #tpu.memory_space<vmem>> -> memref<128xi32, #tpu.memory_space<vmem>>
    %dma_wait3A_39 = arith.constant 256 : i32
    %dma_wait3A_40 = tpu.memref_slice %arg6[%dma_wait3A_39] : memref<512xi32, #tpu.memory_space<vmem>> -> memref<128xi32, #tpu.memory_space<vmem>>
    %dma_wait3A_41 = arith.constant 0 : i32
    %dma_wait3A_42 = tpu.memref_slice %arg4[%dma_wait3A_41] : memref<1000064xi32, #tpu.memory_space<hbm>> -> memref<1000064xi32, #tpu.memory_space<hbm>>
    tpu.wait_indirect_dma semaphore(%arg10 : memref<!tpu.dma_semaphore, #tpu.memory_space<semaphore_mem>>) src(%dma_wait3A_42 : memref<1000064xi32, #tpu.memory_space<hbm>>) dst(%dma_wait3A_38 : memref<128xi32, #tpu.memory_space<vmem>>)
    %dma_wait3A_43 = arith.constant 384 : i32
    %dma_wait3A_44 = tpu.memref_slice %arg7[%dma_wait3A_43] : memref<512xi32, #tpu.memory_space<vmem>> -> memref<128xi32, #tpu.memory_space<vmem>>
    %dma_wait3A_45 = arith.constant 384 : i32
    %dma_wait3A_46 = tpu.memref_slice %arg6[%dma_wait3A_45] : memref<512xi32, #tpu.memory_space<vmem>> -> memref<128xi32, #tpu.memory_space<vmem>>
    %dma_wait3A_47 = arith.constant 0 : i32
    %dma_wait3A_48 = tpu.memref_slice %arg4[%dma_wait3A_47] : memref<1000064xi32, #tpu.memory_space<hbm>> -> memref<1000064xi32, #tpu.memory_space<hbm>>
    tpu.wait_indirect_dma semaphore(%arg10 : memref<!tpu.dma_semaphore, #tpu.memory_space<semaphore_mem>>) src(%dma_wait3A_48 : memref<1000064xi32, #tpu.memory_space<hbm>>) dst(%dma_wait3A_44 : memref<128xi32, #tpu.memory_space<vmem>>)
    %dma_start3A_49 = arith.constant 0 : i32
    %dma_start3A_50 = tpu.memref_slice %arg7[%dma_start3A_49] : memref<512xi32, #tpu.memory_space<vmem>> -> memref<128xi32, #tpu.memory_space<vmem>>
    %dma_start3A_51 = arith.constant 0 : i32
    %dma_start3A_52 = arith.constant 0 : i32
    %dma_start3A_53 = tpu.memref_slice %arg3[%dma_start3A_51, %dma_start3A_52] : memref<16384x128xf32, #tpu.memory_space<hbm>> -> memref<16384x128xf32, #tpu.memory_space<hbm>>
    tpu.enqueue_indirect_dma source(%dma_start3A_53 : memref<16384x128xf32, #tpu.memory_space<hbm>>) target(%arg8 : memref<128x128xf32, #tpu.memory_space<vmem>>) offsets(%dma_start3A_50 : memref<128xi32, #tpu.memory_space<vmem>>) semaphore(%arg11 : memref<!tpu.dma_semaphore, #tpu.memory_space<semaphore_mem>>)
    %dma_start3A_54 = arith.constant 128 : i32
    %dma_start3A_55 = tpu.memref_slice %arg7[%dma_start3A_54] : memref<512xi32, #tpu.memory_space<vmem>> -> memref<128xi32, #tpu.memory_space<vmem>>
    %dma_start3A_56 = arith.constant 0 : i32
    %dma_start3A_57 = arith.constant 0 : i32
    %dma_start3A_58 = tpu.memref_slice %arg3[%dma_start3A_56, %dma_start3A_57] : memref<16384x128xf32, #tpu.memory_space<hbm>> -> memref<16384x128xf32, #tpu.memory_space<hbm>>
    tpu.enqueue_indirect_dma source(%dma_start3A_58 : memref<16384x128xf32, #tpu.memory_space<hbm>>) target(%arg9 : memref<128x128xf32, #tpu.memory_space<vmem>>) offsets(%dma_start3A_55 : memref<128xi32, #tpu.memory_space<vmem>>) semaphore(%arg12 : memref<!tpu.dma_semaphore, #tpu.memory_space<semaphore_mem>>)
    %dma_wait3A_59 = arith.constant 0 : i32
    %dma_wait3A_60 = tpu.memref_slice %arg7[%dma_wait3A_59] : memref<512xi32, #tpu.memory_space<vmem>> -> memref<128xi32, #tpu.memory_space<vmem>>
    %dma_wait3A_61 = arith.constant 0 : i32
    %dma_wait3A_62 = arith.constant 0 : i32
    %dma_wait3A_63 = tpu.memref_slice %arg3[%dma_wait3A_61, %dma_wait3A_62] : memref<16384x128xf32, #tpu.memory_space<hbm>> -> memref<16384x128xf32, #tpu.memory_space<hbm>>
    tpu.wait_indirect_dma semaphore(%arg11 : memref<!tpu.dma_semaphore, #tpu.memory_space<semaphore_mem>>) src(%dma_wait3A_63 : memref<16384x128xf32, #tpu.memory_space<hbm>>) dst(%arg8 : memref<128x128xf32, #tpu.memory_space<vmem>>)
    %add3A_64 = arith.constant 0 : i32
    %add3A_65 = arith.addi %mul3A_2, %add3A_64 : i32
    "tpu.region"() ({
      %run_scoped3A = tpu.sem_alloc : memref<!tpu.dma_semaphore, #tpu.memory_space<semaphore_mem>>
      %dma_start3A_97 = arith.constant 0 : i32
      %dma_start3A_98 = tpu.memref_slice %arg5[%add3A_65, %dma_start3A_97] : memref<16384x128xf32, #tpu.memory_space<hbm>> -> memref<128x128xf32, #tpu.memory_space<hbm>>
      %dma_start3A_99 = arith.constant 0 : i32
      %dma_start3A_100 = tpu.memref_slice %arg5[%add3A_65, %dma_start3A_99] : memref<16384x128xf32, #tpu.memory_space<hbm>> -> memref<128x128xf32, #tpu.memory_space<hbm>>
      tpu.enqueue_dma source(%arg8 : memref<128x128xf32, #tpu.memory_space<vmem>>) target(%dma_start3A_100 : memref<128x128xf32, #tpu.memory_space<hbm>>) target_semaphore(%run_scoped3A : memref<!tpu.dma_semaphore, #tpu.memory_space<semaphore_mem>>)
      %dma_wait3A_101 = arith.constant 0 : i32
      %dma_wait3A_102 = tpu.memref_slice %arg5[%add3A_65, %dma_wait3A_101] : memref<16384x128xf32, #tpu.memory_space<hbm>> -> memref<128x128xf32, #tpu.memory_space<hbm>>
      %dma_wait3A_103 = arith.constant 0 : i32
      %dma_wait3A_104 = tpu.memref_slice %arg5[%add3A_65, %dma_wait3A_103] : memref<16384x128xf32, #tpu.memory_space<hbm>> -> memref<128x128xf32, #tpu.memory_space<hbm>>
      tpu.wait_dma2 semaphore(%run_scoped3A : memref<!tpu.dma_semaphore, #tpu.memory_space<semaphore_mem>>) src(%arg8 : memref<128x128xf32, #tpu.memory_space<vmem>>) dst(%dma_wait3A_104 : memref<128x128xf32, #tpu.memory_space<hbm>>)
      tpu.yield
    }) : () -> ()
    %dma_start3A_66 = arith.constant 256 : i32
    %dma_start3A_67 = tpu.memref_slice %arg7[%dma_start3A_66] : memref<512xi32, #tpu.memory_space<vmem>> -> memref<128xi32, #tpu.memory_space<vmem>>
    %dma_start3A_68 = arith.constant 0 : i32
    %dma_start3A_69 = arith.constant 0 : i32
    %dma_start3A_70 = tpu.memref_slice %arg3[%dma_start3A_68, %dma_start3A_69] : memref<16384x128xf32, #tpu.memory_space<hbm>> -> memref<16384x128xf32, #tpu.memory_space<hbm>>
    tpu.enqueue_indirect_dma source(%dma_start3A_70 : memref<16384x128xf32, #tpu.memory_space<hbm>>) target(%arg8 : memref<128x128xf32, #tpu.memory_space<vmem>>) offsets(%dma_start3A_67 : memref<128xi32, #tpu.memory_space<vmem>>) semaphore(%arg11 : memref<!tpu.dma_semaphore, #tpu.memory_space<semaphore_mem>>)
    %dma_wait3A_71 = arith.constant 128 : i32
    %dma_wait3A_72 = tpu.memref_slice %arg7[%dma_wait3A_71] : memref<512xi32, #tpu.memory_space<vmem>> -> memref<128xi32, #tpu.memory_space<vmem>>
    %dma_wait3A_73 = arith.constant 0 : i32
    %dma_wait3A_74 = arith.constant 0 : i32
    %dma_wait3A_75 = tpu.memref_slice %arg3[%dma_wait3A_73, %dma_wait3A_74] : memref<16384x128xf32, #tpu.memory_space<hbm>> -> memref<16384x128xf32, #tpu.memory_space<hbm>>
    tpu.wait_indirect_dma semaphore(%arg12 : memref<!tpu.dma_semaphore, #tpu.memory_space<semaphore_mem>>) src(%dma_wait3A_75 : memref<16384x128xf32, #tpu.memory_space<hbm>>) dst(%arg9 : memref<128x128xf32, #tpu.memory_space<vmem>>)
    %add3A_76 = arith.constant 128 : i32
    %add3A_77 = arith.addi %mul3A_2, %add3A_76 : i32
    "tpu.region"() ({
      %run_scoped3A = tpu.sem_alloc : memref<!tpu.dma_semaphore, #tpu.memory_space<semaphore_mem>>
      %dma_start3A_97 = arith.constant 0 : i32
      %dma_start3A_98 = tpu.memref_slice %arg5[%add3A_77, %dma_start3A_97] : memref<16384x128xf32, #tpu.memory_space<hbm>> -> memref<128x128xf32, #tpu.memory_space<hbm>>
      %dma_start3A_99 = arith.constant 0 : i32
      %dma_start3A_100 = tpu.memref_slice %arg5[%add3A_77, %dma_start3A_99] : memref<16384x128xf32, #tpu.memory_space<hbm>> -> memref<128x128xf32, #tpu.memory_space<hbm>>
      tpu.enqueue_dma source(%arg9 : memref<128x128xf32, #tpu.memory_space<vmem>>) target(%dma_start3A_100 : memref<128x128xf32, #tpu.memory_space<hbm>>) target_semaphore(%run_scoped3A : memref<!tpu.dma_semaphore, #tpu.memory_space<semaphore_mem>>)
      %dma_wait3A_101 = arith.constant 0 : i32
      %dma_wait3A_102 = tpu.memref_slice %arg5[%add3A_77, %dma_wait3A_101] : memref<16384x128xf32, #tpu.memory_space<hbm>> -> memref<128x128xf32, #tpu.memory_space<hbm>>
      %dma_wait3A_103 = arith.constant 0 : i32
      %dma_wait3A_104 = tpu.memref_slice %arg5[%add3A_77, %dma_wait3A_103] : memref<16384x128xf32, #tpu.memory_space<hbm>> -> memref<128x128xf32, #tpu.memory_space<hbm>>
      tpu.wait_dma2 semaphore(%run_scoped3A : memref<!tpu.dma_semaphore, #tpu.memory_space<semaphore_mem>>) src(%arg9 : memref<128x128xf32, #tpu.memory_space<vmem>>) dst(%dma_wait3A_104 : memref<128x128xf32, #tpu.memory_space<hbm>>)
      tpu.yield
    }) : () -> ()
    %dma_start3A_78 = arith.constant 384 : i32
    %dma_start3A_79 = tpu.memref_slice %arg7[%dma_start3A_78] : memref<512xi32, #tpu.memory_space<vmem>> -> memref<128xi32, #tpu.memory_space<vmem>>
    %dma_start3A_80 = arith.constant 0 : i32
    %dma_start3A_81 = arith.constant 0 : i32
    %dma_start3A_82 = tpu.memref_slice %arg3[%dma_start3A_80, %dma_start3A_81] : memref<16384x128xf32, #tpu.memory_space<hbm>> -> memref<16384x128xf32, #tpu.memory_space<hbm>>
    tpu.enqueue_indirect_dma source(%dma_start3A_82 : memref<16384x128xf32, #tpu.memory_space<hbm>>) target(%arg9 : memref<128x128xf32, #tpu.memory_space<vmem>>) offsets(%dma_start3A_79 : memref<128xi32, #tpu.memory_space<vmem>>) semaphore(%arg12 : memref<!tpu.dma_semaphore, #tpu.memory_space<semaphore_mem>>)
    %dma_wait3A_83 = arith.constant 256 : i32
    %dma_wait3A_84 = tpu.memref_slice %arg7[%dma_wait3A_83] : memref<512xi32, #tpu.memory_space<vmem>> -> memref<128xi32, #tpu.memory_space<vmem>>
    %dma_wait3A_85 = arith.constant 0 : i32
    %dma_wait3A_86 = arith.constant 0 : i32
    %dma_wait3A_87 = tpu.memref_slice %arg3[%dma_wait3A_85, %dma_wait3A_86] : memref<16384x128xf32, #tpu.memory_space<hbm>> -> memref<16384x128xf32, #tpu.memory_space<hbm>>
    tpu.wait_indirect_dma semaphore(%arg11 : memref<!tpu.dma_semaphore, #tpu.memory_space<semaphore_mem>>) src(%dma_wait3A_87 : memref<16384x128xf32, #tpu.memory_space<hbm>>) dst(%arg8 : memref<128x128xf32, #tpu.memory_space<vmem>>)
    %add3A_88 = arith.constant 256 : i32
    %add3A_89 = arith.addi %mul3A_2, %add3A_88 : i32
    "tpu.region"() ({
      %run_scoped3A = tpu.sem_alloc : memref<!tpu.dma_semaphore, #tpu.memory_space<semaphore_mem>>
      %dma_start3A_97 = arith.constant 0 : i32
      %dma_start3A_98 = tpu.memref_slice %arg5[%add3A_89, %dma_start3A_97] : memref<16384x128xf32, #tpu.memory_space<hbm>> -> memref<128x128xf32, #tpu.memory_space<hbm>>
      %dma_start3A_99 = arith.constant 0 : i32
      %dma_start3A_100 = tpu.memref_slice %arg5[%add3A_89, %dma_start3A_99] : memref<16384x128xf32, #tpu.memory_space<hbm>> -> memref<128x128xf32, #tpu.memory_space<hbm>>
      tpu.enqueue_dma source(%arg8 : memref<128x128xf32, #tpu.memory_space<vmem>>) target(%dma_start3A_100 : memref<128x128xf32, #tpu.memory_space<hbm>>) target_semaphore(%run_scoped3A : memref<!tpu.dma_semaphore, #tpu.memory_space<semaphore_mem>>)
      %dma_wait3A_101 = arith.constant 0 : i32
      %dma_wait3A_102 = tpu.memref_slice %arg5[%add3A_89, %dma_wait3A_101] : memref<16384x128xf32, #tpu.memory_space<hbm>> -> memref<128x128xf32, #tpu.memory_space<hbm>>
      %dma_wait3A_103 = arith.constant 0 : i32
      %dma_wait3A_104 = tpu.memref_slice %arg5[%add3A_89, %dma_wait3A_103] : memref<16384x128xf32, #tpu.memory_space<hbm>> -> memref<128x128xf32, #tpu.memory_space<hbm>>
      tpu.wait_dma2 semaphore(%run_scoped3A : memref<!tpu.dma_semaphore, #tpu.memory_space<semaphore_mem>>) src(%arg8 : memref<128x128xf32, #tpu.memory_space<vmem>>) dst(%dma_wait3A_104 : memref<128x128xf32, #tpu.memory_space<hbm>>)
      tpu.yield
    }) : () -> ()
    %dma_wait3A_90 = arith.constant 384 : i32
    %dma_wait3A_91 = tpu.memref_slice %arg7[%dma_wait3A_90] : memref<512xi32, #tpu.memory_space<vmem>> -> memref<128xi32, #tpu.memory_space<vmem>>
    %dma_wait3A_92 = arith.constant 0 : i32
    %dma_wait3A_93 = arith.constant 0 : i32
    %dma_wait3A_94 = tpu.memref_slice %arg3[%dma_wait3A_92, %dma_wait3A_93] : memref<16384x128xf32, #tpu.memory_space<hbm>> -> memref<16384x128xf32, #tpu.memory_space<hbm>>
    tpu.wait_indirect_dma semaphore(%arg12 : memref<!tpu.dma_semaphore, #tpu.memory_space<semaphore_mem>>) src(%dma_wait3A_94 : memref<16384x128xf32, #tpu.memory_space<hbm>>) dst(%arg9 : memref<128x128xf32, #tpu.memory_space<vmem>>)
    %add3A_95 = arith.constant 384 : i32
    %add3A_96 = arith.addi %mul3A_2, %add3A_95 : i32
    "tpu.region"() ({
      %run_scoped3A = tpu.sem_alloc : memref<!tpu.dma_semaphore, #tpu.memory_space<semaphore_mem>>
      %dma_start3A_97 = arith.constant 0 : i32
      %dma_start3A_98 = tpu.memref_slice %arg5[%add3A_96, %dma_start3A_97] : memref<16384x128xf32, #tpu.memory_space<hbm>> -> memref<128x128xf32, #tpu.memory_space<hbm>>
      %dma_start3A_99 = arith.constant 0 : i32
      %dma_start3A_100 = tpu.memref_slice %arg5[%add3A_96, %dma_start3A_99] : memref<16384x128xf32, #tpu.memory_space<hbm>> -> memref<128x128xf32, #tpu.memory_space<hbm>>
      tpu.enqueue_dma source(%arg9 : memref<128x128xf32, #tpu.memory_space<vmem>>) target(%dma_start3A_100 : memref<128x128xf32, #tpu.memory_space<hbm>>) target_semaphore(%run_scoped3A : memref<!tpu.dma_semaphore, #tpu.memory_space<semaphore_mem>>)
      %dma_wait3A_101 = arith.constant 0 : i32
      %dma_wait3A_102 = tpu.memref_slice %arg5[%add3A_96, %dma_wait3A_101] : memref<16384x128xf32, #tpu.memory_space<hbm>> -> memref<128x128xf32, #tpu.memory_space<hbm>>
      %dma_wait3A_103 = arith.constant 0 : i32
      %dma_wait3A_104 = tpu.memref_slice %arg5[%add3A_96, %dma_wait3A_103] : memref<16384x128xf32, #tpu.memory_space<hbm>> -> memref<128x128xf32, #tpu.memory_space<hbm>>
      tpu.wait_dma2 semaphore(%run_scoped3A : memref<!tpu.dma_semaphore, #tpu.memory_space<semaphore_mem>>) src(%arg9 : memref<128x128xf32, #tpu.memory_space<vmem>>) dst(%dma_wait3A_104 : memref<128x128xf32, #tpu.memory_space<hbm>>)
      tpu.yield
    }) : () -> ()
    return
  }
}

#map = affine_map<(d0, d1) -> (0)>
module attributes {stable_mosaic.version = 14 : i64} {
  func.func @_sc_table_body(%arg0: i32, %arg1: i32, %arg2: memref<16384xi32, #tpu.memory_space<hbm>>, %arg3: memref<1000064xi32, #tpu.memory_space<hbm>>, %arg4: memref<4096xi32, #tpu.memory_space<vmem>>, %arg5: memref<4096xi32, #tpu.memory_space<vmem>>, %arg6: memref<62504xi32, #tpu.memory_space<vmem>>, %arg7: memref<32xi32, #tpu.memory_space<vmem>>, %arg8: memref<!tpu.dma_semaphore, #tpu.memory_space<semaphore_mem>>, %arg9: memref<!tpu.dma_semaphore, #tpu.memory_space<semaphore_mem>>) attributes {dimension_semantics = [#tpu.dimension_semantics<core_parallel>, #tpu.dimension_semantics<subcore_parallel>], iteration_bounds = array<i64: 2, 16>, scalar_prefetch = 0 : i64, scratch_operands = 6 : i64, tpu.core_type = #tpu.core_type<sc_vector_subcore>, window_params = [{transform_indices = #map}, {transform_indices = #map}]} {
    %iota3A = tpu.iota {dimensions = array<i32: 0>} : vector<16xi32>
    %mul3A = arith.constant 62504 : i32
    %mul3A_0 = arith.muli %arg1, %mul3A : i32
    %dma_start3A = arith.constant 0 : i32
    %dma_start3A_1 = tpu.memref_slice %arg2[%dma_start3A] : memref<16384xi32, #tpu.memory_space<hbm>> -> memref<4096xi32, #tpu.memory_space<hbm>>
    %dma_start3A_2 = arith.constant 0 : i32
    %dma_start3A_3 = tpu.memref_slice %arg2[%dma_start3A_2] : memref<16384xi32, #tpu.memory_space<hbm>> -> memref<4096xi32, #tpu.memory_space<hbm>>
    tpu.enqueue_dma source(%dma_start3A_3 : memref<4096xi32, #tpu.memory_space<hbm>>) target(%arg4 : memref<4096xi32, #tpu.memory_space<vmem>>) target_semaphore(%arg8 : memref<!tpu.dma_semaphore, #tpu.memory_space<semaphore_mem>>)
    %dma_start3A_4 = arith.constant 4096 : i32
    %dma_start3A_5 = tpu.memref_slice %arg2[%dma_start3A_4] : memref<16384xi32, #tpu.memory_space<hbm>> -> memref<4096xi32, #tpu.memory_space<hbm>>
    %dma_start3A_6 = arith.constant 4096 : i32
    %dma_start3A_7 = tpu.memref_slice %arg2[%dma_start3A_6] : memref<16384xi32, #tpu.memory_space<hbm>> -> memref<4096xi32, #tpu.memory_space<hbm>>
    tpu.enqueue_dma source(%dma_start3A_7 : memref<4096xi32, #tpu.memory_space<hbm>>) target(%arg5 : memref<4096xi32, #tpu.memory_space<vmem>>) target_semaphore(%arg9 : memref<!tpu.dma_semaphore, #tpu.memory_space<semaphore_mem>>)
    %dma_wait3A = arith.constant 0 : i32
    %dma_wait3A_8 = tpu.memref_slice %arg2[%dma_wait3A] : memref<16384xi32, #tpu.memory_space<hbm>> -> memref<4096xi32, #tpu.memory_space<hbm>>
    %dma_wait3A_9 = arith.constant 0 : i32
    %dma_wait3A_10 = tpu.memref_slice %arg2[%dma_wait3A_9] : memref<16384xi32, #tpu.memory_space<hbm>> -> memref<4096xi32, #tpu.memory_space<hbm>>
    tpu.wait_dma2 semaphore(%arg8 : memref<!tpu.dma_semaphore, #tpu.memory_space<semaphore_mem>>) src(%dma_wait3A_10 : memref<4096xi32, #tpu.memory_space<hbm>>) dst(%arg4 : memref<4096xi32, #tpu.memory_space<vmem>>)
    %broadcast_in_dim3A = arith.constant false
    %broadcast_in_dim3A_11 = vector.broadcast %broadcast_in_dim3A : i1 to vector<16xi1>
    %scan3A = arith.constant 0 : i32
    %scan3A_12 = arith.constant 64 : i32
    %scan3A_13 = arith.addi %scan3A, %scan3A_12 : i32
    %scan3A_14 = arith.constant 1 : i32
    %scan3A_15 = scf.for %scan3A_117 = %scan3A to %scan3A_13 step %scan3A_14 iter_args(%scan3A_118 = %broadcast_in_dim3A_11) -> (vector<16xi1>)  : i32 {
      %mul3A_119 = arith.constant 64 : i32
      %mul3A_120 = arith.muli %scan3A_117, %mul3A_119 : i32
      %add3A = arith.constant 0 : i32
      %add3A_121 = arith.addi %mul3A_120, %add3A : i32
      %get3A = arith.index_cast %add3A_121 : i32 to index
      %get3A_122 = tpu.vector_load %arg4[%get3A] {strides = array<i32>} : memref<4096xi32, #tpu.memory_space<vmem>>, vector<16xi32>,
      %ge3A = vector.broadcast %mul3A_0 : i32 to vector<16xi32>
      %ge3A_123 = arith.cmpi sge, %get3A_122, %ge3A : vector<16xi32>
      %add3A_124 = arith.constant 62504 : i32
      %add3A_125 = arith.addi %mul3A_0, %add3A_124 : i32
      %lt3A = vector.broadcast %add3A_125 : i32 to vector<16xi32>
      %lt3A_126 = arith.cmpi slt, %get3A_122, %lt3A : vector<16xi32>
      %and3A = arith.andi %ge3A_123, %lt3A_126 : vector<16xi1>
      %sub3A = vector.broadcast %mul3A_0 : i32 to vector<16xi32>
      %sub3A_127 = arith.subi %get3A_122, %sub3A : vector<16xi32>
      %jit3A = arith.constant 0 : i32
      %broadcast_in_dim3A_128 = vector.broadcast %jit3A : i32 to vector<16xi32>
      %select_n3A = arith.select %and3A, %sub3A_127, %broadcast_in_dim3A_128 : vector<16xi1>, vector<16xi32>
      %add3A_129 = arith.constant 0 : i32
      %add3A_130 = arith.addi %add3A_129, %add3A_121 : i32
      %add3A_131 = vector.broadcast %add3A_130 : i32 to vector<16xi32>
      %add3A_132 = arith.addi %add3A_131, %iota3A : vector<16xi32>
      tpu.vector_store_idx %arg6[%select_n3A], %add3A_132 masked %and3A : memref<62504xi32, #tpu.memory_space<vmem>>[vector<16xi32>], vector<16xi32>, vector<16xi1>
      %gather3A = tpu.vector_load_idx %arg6[%select_n3A] masked %and3A : memref<62504xi32, #tpu.memory_space<vmem>>[vector<16xi32>], vector<16xi32>, vector<16xi1>
      %lt3A_133 = arith.cmpi slt, %gather3A, %add3A_132 : vector<16xi32>
      %and3A_134 = arith.andi %and3A, %lt3A_133 : vector<16xi1>
      %or3A = arith.ori %scan3A_118, %and3A_134 : vector<16xi1>
      %mul3A_135 = arith.constant 64 : i32
      %mul3A_136 = arith.muli %scan3A_117, %mul3A_135 : i32
      %add3A_137 = arith.constant 16 : i32
      %add3A_138 = arith.addi %mul3A_136, %add3A_137 : i32
      %get3A_139 = arith.index_cast %add3A_138 : i32 to index
      %get3A_140 = tpu.vector_load %arg4[%get3A_139] {strides = array<i32>} : memref<4096xi32, #tpu.memory_space<vmem>>, vector<16xi32>,
      %ge3A_141 = vector.broadcast %mul3A_0 : i32 to vector<16xi32>
      %ge3A_142 = arith.cmpi sge, %get3A_140, %ge3A_141 : vector<16xi32>
      %add3A_143 = arith.constant 62504 : i32
      %add3A_144 = arith.addi %mul3A_0, %add3A_143 : i32
      %lt3A_145 = vector.broadcast %add3A_144 : i32 to vector<16xi32>
      %lt3A_146 = arith.cmpi slt, %get3A_140, %lt3A_145 : vector<16xi32>
      %and3A_147 = arith.andi %ge3A_142, %lt3A_146 : vector<16xi1>
      %sub3A_148 = vector.broadcast %mul3A_0 : i32 to vector<16xi32>
      %sub3A_149 = arith.subi %get3A_140, %sub3A_148 : vector<16xi32>
      %jit3A_150 = arith.constant 0 : i32
      %broadcast_in_dim3A_151 = vector.broadcast %jit3A_150 : i32 to vector<16xi32>
      %select_n3A_152 = arith.select %and3A_147, %sub3A_149, %broadcast_in_dim3A_151 : vector<16xi1>, vector<16xi32>
      %add3A_153 = arith.constant 0 : i32
      %add3A_154 = arith.addi %add3A_153, %add3A_138 : i32
      %add3A_155 = vector.broadcast %add3A_154 : i32 to vector<16xi32>
      %add3A_156 = arith.addi %add3A_155, %iota3A : vector<16xi32>
      tpu.vector_store_idx %arg6[%select_n3A_152], %add3A_156 masked %and3A_147 : memref<62504xi32, #tpu.memory_space<vmem>>[vector<16xi32>], vector<16xi32>, vector<16xi1>
      %gather3A_157 = tpu.vector_load_idx %arg6[%select_n3A_152] masked %and3A_147 : memref<62504xi32, #tpu.memory_space<vmem>>[vector<16xi32>], vector<16xi32>, vector<16xi1>
      %lt3A_158 = arith.cmpi slt, %gather3A_157, %add3A_156 : vector<16xi32>
      %and3A_159 = arith.andi %and3A_147, %lt3A_158 : vector<16xi1>
      %or3A_160 = arith.ori %or3A, %and3A_159 : vector<16xi1>
      %mul3A_161 = arith.constant 64 : i32
      %mul3A_162 = arith.muli %scan3A_117, %mul3A_161 : i32
      %add3A_163 = arith.constant 32 : i32
      %add3A_164 = arith.addi %mul3A_162, %add3A_163 : i32
      %get3A_165 = arith.index_cast %add3A_164 : i32 to index
      %get3A_166 = tpu.vector_load %arg4[%get3A_165] {strides = array<i32>} : memref<4096xi32, #tpu.memory_space<vmem>>, vector<16xi32>,
      %ge3A_167 = vector.broadcast %mul3A_0 : i32 to vector<16xi32>
      %ge3A_168 = arith.cmpi sge, %get3A_166, %ge3A_167 : vector<16xi32>
      %add3A_169 = arith.constant 62504 : i32
      %add3A_170 = arith.addi %mul3A_0, %add3A_169 : i32
      %lt3A_171 = vector.broadcast %add3A_170 : i32 to vector<16xi32>
      %lt3A_172 = arith.cmpi slt, %get3A_166, %lt3A_171 : vector<16xi32>
      %and3A_173 = arith.andi %ge3A_168, %lt3A_172 : vector<16xi1>
      %sub3A_174 = vector.broadcast %mul3A_0 : i32 to vector<16xi32>
      %sub3A_175 = arith.subi %get3A_166, %sub3A_174 : vector<16xi32>
      %jit3A_176 = arith.constant 0 : i32
      %broadcast_in_dim3A_177 = vector.broadcast %jit3A_176 : i32 to vector<16xi32>
      %select_n3A_178 = arith.select %and3A_173, %sub3A_175, %broadcast_in_dim3A_177 : vector<16xi1>, vector<16xi32>
      %add3A_179 = arith.constant 0 : i32
      %add3A_180 = arith.addi %add3A_179, %add3A_164 : i32
      %add3A_181 = vector.broadcast %add3A_180 : i32 to vector<16xi32>
      %add3A_182 = arith.addi %add3A_181, %iota3A : vector<16xi32>
      tpu.vector_store_idx %arg6[%select_n3A_178], %add3A_182 masked %and3A_173 : memref<62504xi32, #tpu.memory_space<vmem>>[vector<16xi32>], vector<16xi32>, vector<16xi1>
      %gather3A_183 = tpu.vector_load_idx %arg6[%select_n3A_178] masked %and3A_173 : memref<62504xi32, #tpu.memory_space<vmem>>[vector<16xi32>], vector<16xi32>, vector<16xi1>
      %lt3A_184 = arith.cmpi slt, %gather3A_183, %add3A_182 : vector<16xi32>
      %and3A_185 = arith.andi %and3A_173, %lt3A_184 : vector<16xi1>
      %or3A_186 = arith.ori %or3A_160, %and3A_185 : vector<16xi1>
      %mul3A_187 = arith.constant 64 : i32
      %mul3A_188 = arith.muli %scan3A_117, %mul3A_187 : i32
      %add3A_189 = arith.constant 48 : i32
      %add3A_190 = arith.addi %mul3A_188, %add3A_189 : i32
      %get3A_191 = arith.index_cast %add3A_190 : i32 to index
      %get3A_192 = tpu.vector_load %arg4[%get3A_191] {strides = array<i32>} : memref<4096xi32, #tpu.memory_space<vmem>>, vector<16xi32>,
      %ge3A_193 = vector.broadcast %mul3A_0 : i32 to vector<16xi32>
      %ge3A_194 = arith.cmpi sge, %get3A_192, %ge3A_193 : vector<16xi32>
      %add3A_195 = arith.constant 62504 : i32
      %add3A_196 = arith.addi %mul3A_0, %add3A_195 : i32
      %lt3A_197 = vector.broadcast %add3A_196 : i32 to vector<16xi32>
      %lt3A_198 = arith.cmpi slt, %get3A_192, %lt3A_197 : vector<16xi32>
      %and3A_199 = arith.andi %ge3A_194, %lt3A_198 : vector<16xi1>
      %sub3A_200 = vector.broadcast %mul3A_0 : i32 to vector<16xi32>
      %sub3A_201 = arith.subi %get3A_192, %sub3A_200 : vector<16xi32>
      %jit3A_202 = arith.constant 0 : i32
      %broadcast_in_dim3A_203 = vector.broadcast %jit3A_202 : i32 to vector<16xi32>
      %select_n3A_204 = arith.select %and3A_199, %sub3A_201, %broadcast_in_dim3A_203 : vector<16xi1>, vector<16xi32>
      %add3A_205 = arith.constant 0 : i32
      %add3A_206 = arith.addi %add3A_205, %add3A_190 : i32
      %add3A_207 = vector.broadcast %add3A_206 : i32 to vector<16xi32>
      %add3A_208 = arith.addi %add3A_207, %iota3A : vector<16xi32>
      tpu.vector_store_idx %arg6[%select_n3A_204], %add3A_208 masked %and3A_199 : memref<62504xi32, #tpu.memory_space<vmem>>[vector<16xi32>], vector<16xi32>, vector<16xi1>
      %gather3A_209 = tpu.vector_load_idx %arg6[%select_n3A_204] masked %and3A_199 : memref<62504xi32, #tpu.memory_space<vmem>>[vector<16xi32>], vector<16xi32>, vector<16xi1>
      %lt3A_210 = arith.cmpi slt, %gather3A_209, %add3A_208 : vector<16xi32>
      %and3A_211 = arith.andi %and3A_199, %lt3A_210 : vector<16xi1>
      %or3A_212 = arith.ori %or3A_186, %and3A_211 : vector<16xi1>
      scf.yield %or3A_212 : vector<16xi1>
    }
    %scan3A_16 = arith.constant 64 : i32
    %convert_element_type3A = arith.extui %scan3A_15 : vector<16xi1> to vector<16xi32>
    %reduce_max3A = arith.constant true
    %reduce_max3A_17 = vector.broadcast %reduce_max3A : i1 to vector<16xi1>
    %reduce_max3A_18 = arith.constant -2147483648 : i32
    %reduce_max3A_19 = vector.broadcast %reduce_max3A_18 : i32 to vector<16xi32>
    %reduce_max3A_20 = arith.xori %convert_element_type3A, %reduce_max3A_19 : vector<16xi32>
    %reduce_max3A_21 = tpu.scan <max>, %reduce_max3A_20 masked %reduce_max3A_17 : vector<16xi32>, vector<16xi1> -> vector<16xi32>
    %reduce_max3A_22 = arith.xori %reduce_max3A_21, %reduce_max3A_19 : vector<16xi32>
    %reduce_max3A_23 = vector.extract %reduce_max3A_22[15] : i32 from vector<16xi32>
    %gt3A = arith.constant 0 : i32
    %gt3A_24 = arith.cmpi sgt, %reduce_max3A_23, %gt3A : i32
    %convert_element_type3A_25 = arith.extui %gt3A_24 : i1 to i32
    %cond3A = arith.constant 2147483647 : i32
    %cond3A_26 = arith.constant 0 : i32
    %cond3A_27 = arith.cmpi ne, %convert_element_type3A_25, %cond3A_26 : i32
    scf.if %cond3A_27 {
      %scan3A_117 = arith.constant 0 : i32
      %scan3A_118 = arith.constant 0 : i32
      %scan3A_119 = arith.constant 256 : i32
      %scan3A_120 = arith.addi %scan3A_118, %scan3A_119 : i32
      %scan3A_121 = arith.constant 1 : i32
      scf.for %scan3A_123 = %scan3A_118 to %scan3A_120 step %scan3A_121  : i32 {
        %mul3A_124 = arith.constant 16 : i32
        %mul3A_125 = arith.muli %scan3A_123, %mul3A_124 : i32
        %get3A = arith.index_cast %mul3A_125 : i32 to index
        %get3A_126 = tpu.vector_load %arg4[%get3A] {strides = array<i32>} : memref<4096xi32, #tpu.memory_space<vmem>>, vector<16xi32>,
        %ge3A = vector.broadcast %mul3A_0 : i32 to vector<16xi32>
        %ge3A_127 = arith.cmpi sge, %get3A_126, %ge3A : vector<16xi32>
        %add3A = arith.constant 62504 : i32
        %add3A_128 = arith.addi %mul3A_0, %add3A : i32
        %lt3A = vector.broadcast %add3A_128 : i32 to vector<16xi32>
        %lt3A_129 = arith.cmpi slt, %get3A_126, %lt3A : vector<16xi32>
        %and3A = arith.andi %ge3A_127, %lt3A_129 : vector<16xi1>
        %mul3A_130 = arith.constant 16 : i32
        %mul3A_131 = vector.broadcast %mul3A_130 : i32 to vector<16xi32>
        %mul3A_132 = arith.muli %get3A_126, %mul3A_131 : vector<16xi32>
        %add3A_133 = arith.addi %mul3A_132, %iota3A : vector<16xi32>
        %broadcast_in_dim3A_134 = vector.broadcast %cond3A : i32 to vector<16xi32>
        %select_n3A = arith.select %and3A, %add3A_133, %broadcast_in_dim3A_134 : vector<16xi1>, vector<16xi32>
        %mul3A_135 = arith.constant 16 : i32
        %mul3A_136 = arith.muli %scan3A_123, %mul3A_135 : i32
        %add3A_137 = arith.constant 0 : i32
        %add3A_138 = arith.addi %add3A_137, %mul3A_136 : i32
        %add3A_139 = vector.broadcast %add3A_138 : i32 to vector<16xi32>
        %add3A_140 = arith.addi %add3A_139, %iota3A : vector<16xi32>
        %masked_sort3A = arith.constant dense<true> : vector<16xi1>
        %masked_sort3A_141 = arith.constant -2147483648 : i32
        %masked_sort3A_142 = vector.broadcast %masked_sort3A_141 : i32 to vector<16xi32>
        %masked_sort3A_143 = arith.xori %select_n3A, %masked_sort3A_142 : vector<16xi32>
        %masked_sort3A_144, %masked_sort3A_145, %masked_sort3A_146 = tpu.sort %masked_sort3A_143, %add3A_140 masked %masked_sort3A : (vector<16xi32>, vector<16xi32>, vector<16xi1>) -> (vector<16xi1>, vector<16xi32>, vector<16xi32>)
        %masked_sort3A_147 = arith.xori %masked_sort3A_145, %masked_sort3A_142 : vector<16xi32>
        %shift_right_arithmetic3A = arith.constant 4 : i32
        %shift_right_arithmetic3A_148 = vector.broadcast %shift_right_arithmetic3A : i32 to vector<16xi32>
        %shift_right_arithmetic3A_149 = arith.shrsi %masked_sort3A_147, %shift_right_arithmetic3A_148 : vector<16xi32>
        %swap3A = arith.constant 0 : index
        %swap3A_150 = tpu.vector_load %arg7[%swap3A] {strides = array<i32>} : memref<32xi32, #tpu.memory_space<vmem>>, vector<16xi32>,
        tpu.vector_store %arg7[%swap3A], %shift_right_arithmetic3A_149 {strides = array<i32>} : memref<32xi32, #tpu.memory_space<vmem>>, vector<16xi32>,
        %get3A_151 = arith.constant 1 : index
        %get3A_152 = tpu.vector_load %arg7[%get3A_151] {strides = array<i32>} : memref<32xi32, #tpu.memory_space<vmem>>, vector<16xi32>,
        %ne3A = vector.broadcast %cond3A : i32 to vector<16xi32>
        %ne3A_153 = arith.cmpi ne, %masked_sort3A_147, %ne3A : vector<16xi32>
        %eq3A = arith.constant 15 : i32
        %eq3A_154 = vector.broadcast %eq3A : i32 to vector<16xi32>
        %eq3A_155 = arith.cmpi eq, %iota3A, %eq3A_154 : vector<16xi32>
        %ne3A_156 = arith.cmpi ne, %shift_right_arithmetic3A_149, %get3A_152 : vector<16xi32>
        %or3A = arith.ori %eq3A_155, %ne3A_156 : vector<16xi1>
        %and3A_157 = arith.andi %ne3A_153, %or3A : vector<16xi1>
        %sub3A = vector.broadcast %mul3A_0 : i32 to vector<16xi32>
        %sub3A_158 = arith.subi %shift_right_arithmetic3A_149, %sub3A : vector<16xi32>
        %jit3A = arith.constant 0 : i32
        %broadcast_in_dim3A_159 = vector.broadcast %jit3A : i32 to vector<16xi32>
        %select_n3A_160 = arith.select %and3A_157, %sub3A_158, %broadcast_in_dim3A_159 : vector<16xi1>, vector<16xi32>
        tpu.vector_store_idx %arg6[%select_n3A_160], %masked_sort3A_146 masked %and3A_157 : memref<62504xi32, #tpu.memory_space<vmem>>[vector<16xi32>], vector<16xi32>, vector<16xi1>
      }
      %scan3A_122 = arith.constant 256 : i32
    } else {
    }
    %dma_start3A_28 = arith.constant 8192 : i32
    %dma_start3A_29 = tpu.memref_slice %arg2[%dma_start3A_28] : memref<16384xi32, #tpu.memory_space<hbm>> -> memref<4096xi32, #tpu.memory_space<hbm>>
    %dma_start3A_30 = arith.constant 8192 : i32
    %dma_start3A_31 = tpu.memref_slice %arg2[%dma_start3A_30] : memref<16384xi32, #tpu.memory_space<hbm>> -> memref<4096xi32, #tpu.memory_space<hbm>>
    tpu.enqueue_dma source(%dma_start3A_31 : memref<4096xi32, #tpu.memory_space<hbm>>) target(%arg4 : memref<4096xi32, #tpu.memory_space<vmem>>) target_semaphore(%arg8 : memref<!tpu.dma_semaphore, #tpu.memory_space<semaphore_mem>>)
    %dma_wait3A_32 = arith.constant 4096 : i32
    %dma_wait3A_33 = tpu.memref_slice %arg2[%dma_wait3A_32] : memref<16384xi32, #tpu.memory_space<hbm>> -> memref<4096xi32, #tpu.memory_space<hbm>>
    %dma_wait3A_34 = arith.constant 4096 : i32
    %dma_wait3A_35 = tpu.memref_slice %arg2[%dma_wait3A_34] : memref<16384xi32, #tpu.memory_space<hbm>> -> memref<4096xi32, #tpu.memory_space<hbm>>
    tpu.wait_dma2 semaphore(%arg9 : memref<!tpu.dma_semaphore, #tpu.memory_space<semaphore_mem>>) src(%dma_wait3A_35 : memref<4096xi32, #tpu.memory_space<hbm>>) dst(%arg5 : memref<4096xi32, #tpu.memory_space<vmem>>)
    %broadcast_in_dim3A_36 = arith.constant false
    %broadcast_in_dim3A_37 = vector.broadcast %broadcast_in_dim3A_36 : i1 to vector<16xi1>
    %scan3A_38 = arith.constant 0 : i32
    %scan3A_39 = arith.constant 64 : i32
    %scan3A_40 = arith.addi %scan3A_38, %scan3A_39 : i32
    %scan3A_41 = arith.constant 1 : i32
    %scan3A_42 = scf.for %scan3A_117 = %scan3A_38 to %scan3A_40 step %scan3A_41 iter_args(%scan3A_118 = %broadcast_in_dim3A_37) -> (vector<16xi1>)  : i32 {
      %mul3A_119 = arith.constant 64 : i32
      %mul3A_120 = arith.muli %scan3A_117, %mul3A_119 : i32
      %add3A = arith.constant 0 : i32
      %add3A_121 = arith.addi %mul3A_120, %add3A : i32
      %get3A = arith.index_cast %add3A_121 : i32 to index
      %get3A_122 = tpu.vector_load %arg5[%get3A] {strides = array<i32>} : memref<4096xi32, #tpu.memory_space<vmem>>, vector<16xi32>,
      %ge3A = vector.broadcast %mul3A_0 : i32 to vector<16xi32>
      %ge3A_123 = arith.cmpi sge, %get3A_122, %ge3A : vector<16xi32>
      %add3A_124 = arith.constant 62504 : i32
      %add3A_125 = arith.addi %mul3A_0, %add3A_124 : i32
      %lt3A = vector.broadcast %add3A_125 : i32 to vector<16xi32>
      %lt3A_126 = arith.cmpi slt, %get3A_122, %lt3A : vector<16xi32>
      %and3A = arith.andi %ge3A_123, %lt3A_126 : vector<16xi1>
      %sub3A = vector.broadcast %mul3A_0 : i32 to vector<16xi32>
      %sub3A_127 = arith.subi %get3A_122, %sub3A : vector<16xi32>
      %jit3A = arith.constant 0 : i32
      %broadcast_in_dim3A_128 = vector.broadcast %jit3A : i32 to vector<16xi32>
      %select_n3A = arith.select %and3A, %sub3A_127, %broadcast_in_dim3A_128 : vector<16xi1>, vector<16xi32>
      %add3A_129 = arith.constant 4096 : i32
      %add3A_130 = arith.addi %add3A_129, %add3A_121 : i32
      %add3A_131 = vector.broadcast %add3A_130 : i32 to vector<16xi32>
      %add3A_132 = arith.addi %add3A_131, %iota3A : vector<16xi32>
      tpu.vector_store_idx %arg6[%select_n3A], %add3A_132 masked %and3A : memref<62504xi32, #tpu.memory_space<vmem>>[vector<16xi32>], vector<16xi32>, vector<16xi1>
      %gather3A = tpu.vector_load_idx %arg6[%select_n3A] masked %and3A : memref<62504xi32, #tpu.memory_space<vmem>>[vector<16xi32>], vector<16xi32>, vector<16xi1>
      %lt3A_133 = arith.cmpi slt, %gather3A, %add3A_132 : vector<16xi32>
      %and3A_134 = arith.andi %and3A, %lt3A_133 : vector<16xi1>
      %or3A = arith.ori %scan3A_118, %and3A_134 : vector<16xi1>
      %mul3A_135 = arith.constant 64 : i32
      %mul3A_136 = arith.muli %scan3A_117, %mul3A_135 : i32
      %add3A_137 = arith.constant 16 : i32
      %add3A_138 = arith.addi %mul3A_136, %add3A_137 : i32
      %get3A_139 = arith.index_cast %add3A_138 : i32 to index
      %get3A_140 = tpu.vector_load %arg5[%get3A_139] {strides = array<i32>} : memref<4096xi32, #tpu.memory_space<vmem>>, vector<16xi32>,
      %ge3A_141 = vector.broadcast %mul3A_0 : i32 to vector<16xi32>
      %ge3A_142 = arith.cmpi sge, %get3A_140, %ge3A_141 : vector<16xi32>
      %add3A_143 = arith.constant 62504 : i32
      %add3A_144 = arith.addi %mul3A_0, %add3A_143 : i32
      %lt3A_145 = vector.broadcast %add3A_144 : i32 to vector<16xi32>
      %lt3A_146 = arith.cmpi slt, %get3A_140, %lt3A_145 : vector<16xi32>
      %and3A_147 = arith.andi %ge3A_142, %lt3A_146 : vector<16xi1>
      %sub3A_148 = vector.broadcast %mul3A_0 : i32 to vector<16xi32>
      %sub3A_149 = arith.subi %get3A_140, %sub3A_148 : vector<16xi32>
      %jit3A_150 = arith.constant 0 : i32
      %broadcast_in_dim3A_151 = vector.broadcast %jit3A_150 : i32 to vector<16xi32>
      %select_n3A_152 = arith.select %and3A_147, %sub3A_149, %broadcast_in_dim3A_151 : vector<16xi1>, vector<16xi32>
      %add3A_153 = arith.constant 4096 : i32
      %add3A_154 = arith.addi %add3A_153, %add3A_138 : i32
      %add3A_155 = vector.broadcast %add3A_154 : i32 to vector<16xi32>
      %add3A_156 = arith.addi %add3A_155, %iota3A : vector<16xi32>
      tpu.vector_store_idx %arg6[%select_n3A_152], %add3A_156 masked %and3A_147 : memref<62504xi32, #tpu.memory_space<vmem>>[vector<16xi32>], vector<16xi32>, vector<16xi1>
      %gather3A_157 = tpu.vector_load_idx %arg6[%select_n3A_152] masked %and3A_147 : memref<62504xi32, #tpu.memory_space<vmem>>[vector<16xi32>], vector<16xi32>, vector<16xi1>
      %lt3A_158 = arith.cmpi slt, %gather3A_157, %add3A_156 : vector<16xi32>
      %and3A_159 = arith.andi %and3A_147, %lt3A_158 : vector<16xi1>
      %or3A_160 = arith.ori %or3A, %and3A_159 : vector<16xi1>
      %mul3A_161 = arith.constant 64 : i32
      %mul3A_162 = arith.muli %scan3A_117, %mul3A_161 : i32
      %add3A_163 = arith.constant 32 : i32
      %add3A_164 = arith.addi %mul3A_162, %add3A_163 : i32
      %get3A_165 = arith.index_cast %add3A_164 : i32 to index
      %get3A_166 = tpu.vector_load %arg5[%get3A_165] {strides = array<i32>} : memref<4096xi32, #tpu.memory_space<vmem>>, vector<16xi32>,
      %ge3A_167 = vector.broadcast %mul3A_0 : i32 to vector<16xi32>
      %ge3A_168 = arith.cmpi sge, %get3A_166, %ge3A_167 : vector<16xi32>
      %add3A_169 = arith.constant 62504 : i32
      %add3A_170 = arith.addi %mul3A_0, %add3A_169 : i32
      %lt3A_171 = vector.broadcast %add3A_170 : i32 to vector<16xi32>
      %lt3A_172 = arith.cmpi slt, %get3A_166, %lt3A_171 : vector<16xi32>
      %and3A_173 = arith.andi %ge3A_168, %lt3A_172 : vector<16xi1>
      %sub3A_174 = vector.broadcast %mul3A_0 : i32 to vector<16xi32>
      %sub3A_175 = arith.subi %get3A_166, %sub3A_174 : vector<16xi32>
      %jit3A_176 = arith.constant 0 : i32
      %broadcast_in_dim3A_177 = vector.broadcast %jit3A_176 : i32 to vector<16xi32>
      %select_n3A_178 = arith.select %and3A_173, %sub3A_175, %broadcast_in_dim3A_177 : vector<16xi1>, vector<16xi32>
      %add3A_179 = arith.constant 4096 : i32
      %add3A_180 = arith.addi %add3A_179, %add3A_164 : i32
      %add3A_181 = vector.broadcast %add3A_180 : i32 to vector<16xi32>
      %add3A_182 = arith.addi %add3A_181, %iota3A : vector<16xi32>
      tpu.vector_store_idx %arg6[%select_n3A_178], %add3A_182 masked %and3A_173 : memref<62504xi32, #tpu.memory_space<vmem>>[vector<16xi32>], vector<16xi32>, vector<16xi1>
      %gather3A_183 = tpu.vector_load_idx %arg6[%select_n3A_178] masked %and3A_173 : memref<62504xi32, #tpu.memory_space<vmem>>[vector<16xi32>], vector<16xi32>, vector<16xi1>
      %lt3A_184 = arith.cmpi slt, %gather3A_183, %add3A_182 : vector<16xi32>
      %and3A_185 = arith.andi %and3A_173, %lt3A_184 : vector<16xi1>
      %or3A_186 = arith.ori %or3A_160, %and3A_185 : vector<16xi1>
      %mul3A_187 = arith.constant 64 : i32
      %mul3A_188 = arith.muli %scan3A_117, %mul3A_187 : i32
      %add3A_189 = arith.constant 48 : i32
      %add3A_190 = arith.addi %mul3A_188, %add3A_189 : i32
      %get3A_191 = arith.index_cast %add3A_190 : i32 to index
      %get3A_192 = tpu.vector_load %arg5[%get3A_191] {strides = array<i32>} : memref<4096xi32, #tpu.memory_space<vmem>>, vector<16xi32>,
      %ge3A_193 = vector.broadcast %mul3A_0 : i32 to vector<16xi32>
      %ge3A_194 = arith.cmpi sge, %get3A_192, %ge3A_193 : vector<16xi32>
      %add3A_195 = arith.constant 62504 : i32
      %add3A_196 = arith.addi %mul3A_0, %add3A_195 : i32
      %lt3A_197 = vector.broadcast %add3A_196 : i32 to vector<16xi32>
      %lt3A_198 = arith.cmpi slt, %get3A_192, %lt3A_197 : vector<16xi32>
      %and3A_199 = arith.andi %ge3A_194, %lt3A_198 : vector<16xi1>
      %sub3A_200 = vector.broadcast %mul3A_0 : i32 to vector<16xi32>
      %sub3A_201 = arith.subi %get3A_192, %sub3A_200 : vector<16xi32>
      %jit3A_202 = arith.constant 0 : i32
      %broadcast_in_dim3A_203 = vector.broadcast %jit3A_202 : i32 to vector<16xi32>
      %select_n3A_204 = arith.select %and3A_199, %sub3A_201, %broadcast_in_dim3A_203 : vector<16xi1>, vector<16xi32>
      %add3A_205 = arith.constant 4096 : i32
      %add3A_206 = arith.addi %add3A_205, %add3A_190 : i32
      %add3A_207 = vector.broadcast %add3A_206 : i32 to vector<16xi32>
      %add3A_208 = arith.addi %add3A_207, %iota3A : vector<16xi32>
      tpu.vector_store_idx %arg6[%select_n3A_204], %add3A_208 masked %and3A_199 : memref<62504xi32, #tpu.memory_space<vmem>>[vector<16xi32>], vector<16xi32>, vector<16xi1>
      %gather3A_209 = tpu.vector_load_idx %arg6[%select_n3A_204] masked %and3A_199 : memref<62504xi32, #tpu.memory_space<vmem>>[vector<16xi32>], vector<16xi32>, vector<16xi1>
      %lt3A_210 = arith.cmpi slt, %gather3A_209, %add3A_208 : vector<16xi32>
      %and3A_211 = arith.andi %and3A_199, %lt3A_210 : vector<16xi1>
      %or3A_212 = arith.ori %or3A_186, %and3A_211 : vector<16xi1>
      scf.yield %or3A_212 : vector<16xi1>
    }
    %scan3A_43 = arith.constant 64 : i32
    %convert_element_type3A_44 = arith.extui %scan3A_42 : vector<16xi1> to vector<16xi32>
    %reduce_max3A_45 = arith.constant true
    %reduce_max3A_46 = vector.broadcast %reduce_max3A_45 : i1 to vector<16xi1>
    %reduce_max3A_47 = arith.constant -2147483648 : i32
    %reduce_max3A_48 = vector.broadcast %reduce_max3A_47 : i32 to vector<16xi32>
    %reduce_max3A_49 = arith.xori %convert_element_type3A_44, %reduce_max3A_48 : vector<16xi32>
    %reduce_max3A_50 = tpu.scan <max>, %reduce_max3A_49 masked %reduce_max3A_46 : vector<16xi32>, vector<16xi1> -> vector<16xi32>
    %reduce_max3A_51 = arith.xori %reduce_max3A_50, %reduce_max3A_48 : vector<16xi32>
    %reduce_max3A_52 = vector.extract %reduce_max3A_51[15] : i32 from vector<16xi32>
    %gt3A_53 = arith.constant 0 : i32
    %gt3A_54 = arith.cmpi sgt, %reduce_max3A_52, %gt3A_53 : i32
    %convert_element_type3A_55 = arith.extui %gt3A_54 : i1 to i32
    %cond3A_56 = arith.constant 2147483647 : i32
    %cond3A_57 = arith.constant 0 : i32
    %cond3A_58 = arith.cmpi ne, %convert_element_type3A_55, %cond3A_57 : i32
    scf.if %cond3A_58 {
      %scan3A_117 = arith.constant 0 : i32
      %scan3A_118 = arith.constant 0 : i32
      %scan3A_119 = arith.constant 256 : i32
      %scan3A_120 = arith.addi %scan3A_118, %scan3A_119 : i32
      %scan3A_121 = arith.constant 1 : i32
      scf.for %scan3A_123 = %scan3A_118 to %scan3A_120 step %scan3A_121  : i32 {
        %mul3A_124 = arith.constant 16 : i32
        %mul3A_125 = arith.muli %scan3A_123, %mul3A_124 : i32
        %get3A = arith.index_cast %mul3A_125 : i32 to index
        %get3A_126 = tpu.vector_load %arg5[%get3A] {strides = array<i32>} : memref<4096xi32, #tpu.memory_space<vmem>>, vector<16xi32>,
        %ge3A = vector.broadcast %mul3A_0 : i32 to vector<16xi32>
        %ge3A_127 = arith.cmpi sge, %get3A_126, %ge3A : vector<16xi32>
        %add3A = arith.constant 62504 : i32
        %add3A_128 = arith.addi %mul3A_0, %add3A : i32
        %lt3A = vector.broadcast %add3A_128 : i32 to vector<16xi32>
        %lt3A_129 = arith.cmpi slt, %get3A_126, %lt3A : vector<16xi32>
        %and3A = arith.andi %ge3A_127, %lt3A_129 : vector<16xi1>
        %mul3A_130 = arith.constant 16 : i32
        %mul3A_131 = vector.broadcast %mul3A_130 : i32 to vector<16xi32>
        %mul3A_132 = arith.muli %get3A_126, %mul3A_131 : vector<16xi32>
        %add3A_133 = arith.addi %mul3A_132, %iota3A : vector<16xi32>
        %broadcast_in_dim3A_134 = vector.broadcast %cond3A_56 : i32 to vector<16xi32>
        %select_n3A = arith.select %and3A, %add3A_133, %broadcast_in_dim3A_134 : vector<16xi1>, vector<16xi32>
        %mul3A_135 = arith.constant 16 : i32
        %mul3A_136 = arith.muli %scan3A_123, %mul3A_135 : i32
        %add3A_137 = arith.constant 4096 : i32
        %add3A_138 = arith.addi %add3A_137, %mul3A_136 : i32
        %add3A_139 = vector.broadcast %add3A_138 : i32 to vector<16xi32>
        %add3A_140 = arith.addi %add3A_139, %iota3A : vector<16xi32>
        %masked_sort3A = arith.constant dense<true> : vector<16xi1>
        %masked_sort3A_141 = arith.constant -2147483648 : i32
        %masked_sort3A_142 = vector.broadcast %masked_sort3A_141 : i32 to vector<16xi32>
        %masked_sort3A_143 = arith.xori %select_n3A, %masked_sort3A_142 : vector<16xi32>
        %masked_sort3A_144, %masked_sort3A_145, %masked_sort3A_146 = tpu.sort %masked_sort3A_143, %add3A_140 masked %masked_sort3A : (vector<16xi32>, vector<16xi32>, vector<16xi1>) -> (vector<16xi1>, vector<16xi32>, vector<16xi32>)
        %masked_sort3A_147 = arith.xori %masked_sort3A_145, %masked_sort3A_142 : vector<16xi32>
        %shift_right_arithmetic3A = arith.constant 4 : i32
        %shift_right_arithmetic3A_148 = vector.broadcast %shift_right_arithmetic3A : i32 to vector<16xi32>
        %shift_right_arithmetic3A_149 = arith.shrsi %masked_sort3A_147, %shift_right_arithmetic3A_148 : vector<16xi32>
        %swap3A = arith.constant 0 : index
        %swap3A_150 = tpu.vector_load %arg7[%swap3A] {strides = array<i32>} : memref<32xi32, #tpu.memory_space<vmem>>, vector<16xi32>,
        tpu.vector_store %arg7[%swap3A], %shift_right_arithmetic3A_149 {strides = array<i32>} : memref<32xi32, #tpu.memory_space<vmem>>, vector<16xi32>,
        %get3A_151 = arith.constant 1 : index
        %get3A_152 = tpu.vector_load %arg7[%get3A_151] {strides = array<i32>} : memref<32xi32, #tpu.memory_space<vmem>>, vector<16xi32>,
        %ne3A = vector.broadcast %cond3A_56 : i32 to vector<16xi32>
        %ne3A_153 = arith.cmpi ne, %masked_sort3A_147, %ne3A : vector<16xi32>
        %eq3A = arith.constant 15 : i32
        %eq3A_154 = vector.broadcast %eq3A : i32 to vector<16xi32>
        %eq3A_155 = arith.cmpi eq, %iota3A, %eq3A_154 : vector<16xi32>
        %ne3A_156 = arith.cmpi ne, %shift_right_arithmetic3A_149, %get3A_152 : vector<16xi32>
        %or3A = arith.ori %eq3A_155, %ne3A_156 : vector<16xi1>
        %and3A_157 = arith.andi %ne3A_153, %or3A : vector<16xi1>
        %sub3A = vector.broadcast %mul3A_0 : i32 to vector<16xi32>
        %sub3A_158 = arith.subi %shift_right_arithmetic3A_149, %sub3A : vector<16xi32>
        %jit3A = arith.constant 0 : i32
        %broadcast_in_dim3A_159 = vector.broadcast %jit3A : i32 to vector<16xi32>
        %select_n3A_160 = arith.select %and3A_157, %sub3A_158, %broadcast_in_dim3A_159 : vector<16xi1>, vector<16xi32>
        tpu.vector_store_idx %arg6[%select_n3A_160], %masked_sort3A_146 masked %and3A_157 : memref<62504xi32, #tpu.memory_space<vmem>>[vector<16xi32>], vector<16xi32>, vector<16xi1>
      }
      %scan3A_122 = arith.constant 256 : i32
    } else {
    }
    %dma_start3A_59 = arith.constant 12288 : i32
    %dma_start3A_60 = tpu.memref_slice %arg2[%dma_start3A_59] : memref<16384xi32, #tpu.memory_space<hbm>> -> memref<4096xi32, #tpu.memory_space<hbm>>
    %dma_start3A_61 = arith.constant 12288 : i32
    %dma_start3A_62 = tpu.memref_slice %arg2[%dma_start3A_61] : memref<16384xi32, #tpu.memory_space<hbm>> -> memref<4096xi32, #tpu.memory_space<hbm>>
    tpu.enqueue_dma source(%dma_start3A_62 : memref<4096xi32, #tpu.memory_space<hbm>>) target(%arg5 : memref<4096xi32, #tpu.memory_space<vmem>>) target_semaphore(%arg9 : memref<!tpu.dma_semaphore, #tpu.memory_space<semaphore_mem>>)
    %dma_wait3A_63 = arith.constant 8192 : i32
    %dma_wait3A_64 = tpu.memref_slice %arg2[%dma_wait3A_63] : memref<16384xi32, #tpu.memory_space<hbm>> -> memref<4096xi32, #tpu.memory_space<hbm>>
    %dma_wait3A_65 = arith.constant 8192 : i32
    %dma_wait3A_66 = tpu.memref_slice %arg2[%dma_wait3A_65] : memref<16384xi32, #tpu.memory_space<hbm>> -> memref<4096xi32, #tpu.memory_space<hbm>>
    tpu.wait_dma2 semaphore(%arg8 : memref<!tpu.dma_semaphore, #tpu.memory_space<semaphore_mem>>) src(%dma_wait3A_66 : memref<4096xi32, #tpu.memory_space<hbm>>) dst(%arg4 : memref<4096xi32, #tpu.memory_space<vmem>>)
    %broadcast_in_dim3A_67 = arith.constant false
    %broadcast_in_dim3A_68 = vector.broadcast %broadcast_in_dim3A_67 : i1 to vector<16xi1>
    %scan3A_69 = arith.constant 0 : i32
    %scan3A_70 = arith.constant 64 : i32
    %scan3A_71 = arith.addi %scan3A_69, %scan3A_70 : i32
    %scan3A_72 = arith.constant 1 : i32
    %scan3A_73 = scf.for %scan3A_117 = %scan3A_69 to %scan3A_71 step %scan3A_72 iter_args(%scan3A_118 = %broadcast_in_dim3A_68) -> (vector<16xi1>)  : i32 {
      %mul3A_119 = arith.constant 64 : i32
      %mul3A_120 = arith.muli %scan3A_117, %mul3A_119 : i32
      %add3A = arith.constant 0 : i32
      %add3A_121 = arith.addi %mul3A_120, %add3A : i32
      %get3A = arith.index_cast %add3A_121 : i32 to index
      %get3A_122 = tpu.vector_load %arg4[%get3A] {strides = array<i32>} : memref<4096xi32, #tpu.memory_space<vmem>>, vector<16xi32>,
      %ge3A = vector.broadcast %mul3A_0 : i32 to vector<16xi32>
      %ge3A_123 = arith.cmpi sge, %get3A_122, %ge3A : vector<16xi32>
      %add3A_124 = arith.constant 62504 : i32
      %add3A_125 = arith.addi %mul3A_0, %add3A_124 : i32
      %lt3A = vector.broadcast %add3A_125 : i32 to vector<16xi32>
      %lt3A_126 = arith.cmpi slt, %get3A_122, %lt3A : vector<16xi32>
      %and3A = arith.andi %ge3A_123, %lt3A_126 : vector<16xi1>
      %sub3A = vector.broadcast %mul3A_0 : i32 to vector<16xi32>
      %sub3A_127 = arith.subi %get3A_122, %sub3A : vector<16xi32>
      %jit3A = arith.constant 0 : i32
      %broadcast_in_dim3A_128 = vector.broadcast %jit3A : i32 to vector<16xi32>
      %select_n3A = arith.select %and3A, %sub3A_127, %broadcast_in_dim3A_128 : vector<16xi1>, vector<16xi32>
      %add3A_129 = arith.constant 8192 : i32
      %add3A_130 = arith.addi %add3A_129, %add3A_121 : i32
      %add3A_131 = vector.broadcast %add3A_130 : i32 to vector<16xi32>
      %add3A_132 = arith.addi %add3A_131, %iota3A : vector<16xi32>
      tpu.vector_store_idx %arg6[%select_n3A], %add3A_132 masked %and3A : memref<62504xi32, #tpu.memory_space<vmem>>[vector<16xi32>], vector<16xi32>, vector<16xi1>
      %gather3A = tpu.vector_load_idx %arg6[%select_n3A] masked %and3A : memref<62504xi32, #tpu.memory_space<vmem>>[vector<16xi32>], vector<16xi32>, vector<16xi1>
      %lt3A_133 = arith.cmpi slt, %gather3A, %add3A_132 : vector<16xi32>
      %and3A_134 = arith.andi %and3A, %lt3A_133 : vector<16xi1>
      %or3A = arith.ori %scan3A_118, %and3A_134 : vector<16xi1>
      %mul3A_135 = arith.constant 64 : i32
      %mul3A_136 = arith.muli %scan3A_117, %mul3A_135 : i32
      %add3A_137 = arith.constant 16 : i32
      %add3A_138 = arith.addi %mul3A_136, %add3A_137 : i32
      %get3A_139 = arith.index_cast %add3A_138 : i32 to index
      %get3A_140 = tpu.vector_load %arg4[%get3A_139] {strides = array<i32>} : memref<4096xi32, #tpu.memory_space<vmem>>, vector<16xi32>,
      %ge3A_141 = vector.broadcast %mul3A_0 : i32 to vector<16xi32>
      %ge3A_142 = arith.cmpi sge, %get3A_140, %ge3A_141 : vector<16xi32>
      %add3A_143 = arith.constant 62504 : i32
      %add3A_144 = arith.addi %mul3A_0, %add3A_143 : i32
      %lt3A_145 = vector.broadcast %add3A_144 : i32 to vector<16xi32>
      %lt3A_146 = arith.cmpi slt, %get3A_140, %lt3A_145 : vector<16xi32>
      %and3A_147 = arith.andi %ge3A_142, %lt3A_146 : vector<16xi1>
      %sub3A_148 = vector.broadcast %mul3A_0 : i32 to vector<16xi32>
      %sub3A_149 = arith.subi %get3A_140, %sub3A_148 : vector<16xi32>
      %jit3A_150 = arith.constant 0 : i32
      %broadcast_in_dim3A_151 = vector.broadcast %jit3A_150 : i32 to vector<16xi32>
      %select_n3A_152 = arith.select %and3A_147, %sub3A_149, %broadcast_in_dim3A_151 : vector<16xi1>, vector<16xi32>
      %add3A_153 = arith.constant 8192 : i32
      %add3A_154 = arith.addi %add3A_153, %add3A_138 : i32
      %add3A_155 = vector.broadcast %add3A_154 : i32 to vector<16xi32>
      %add3A_156 = arith.addi %add3A_155, %iota3A : vector<16xi32>
      tpu.vector_store_idx %arg6[%select_n3A_152], %add3A_156 masked %and3A_147 : memref<62504xi32, #tpu.memory_space<vmem>>[vector<16xi32>], vector<16xi32>, vector<16xi1>
      %gather3A_157 = tpu.vector_load_idx %arg6[%select_n3A_152] masked %and3A_147 : memref<62504xi32, #tpu.memory_space<vmem>>[vector<16xi32>], vector<16xi32>, vector<16xi1>
      %lt3A_158 = arith.cmpi slt, %gather3A_157, %add3A_156 : vector<16xi32>
      %and3A_159 = arith.andi %and3A_147, %lt3A_158 : vector<16xi1>
      %or3A_160 = arith.ori %or3A, %and3A_159 : vector<16xi1>
      %mul3A_161 = arith.constant 64 : i32
      %mul3A_162 = arith.muli %scan3A_117, %mul3A_161 : i32
      %add3A_163 = arith.constant 32 : i32
      %add3A_164 = arith.addi %mul3A_162, %add3A_163 : i32
      %get3A_165 = arith.index_cast %add3A_164 : i32 to index
      %get3A_166 = tpu.vector_load %arg4[%get3A_165] {strides = array<i32>} : memref<4096xi32, #tpu.memory_space<vmem>>, vector<16xi32>,
      %ge3A_167 = vector.broadcast %mul3A_0 : i32 to vector<16xi32>
      %ge3A_168 = arith.cmpi sge, %get3A_166, %ge3A_167 : vector<16xi32>
      %add3A_169 = arith.constant 62504 : i32
      %add3A_170 = arith.addi %mul3A_0, %add3A_169 : i32
      %lt3A_171 = vector.broadcast %add3A_170 : i32 to vector<16xi32>
      %lt3A_172 = arith.cmpi slt, %get3A_166, %lt3A_171 : vector<16xi32>
      %and3A_173 = arith.andi %ge3A_168, %lt3A_172 : vector<16xi1>
      %sub3A_174 = vector.broadcast %mul3A_0 : i32 to vector<16xi32>
      %sub3A_175 = arith.subi %get3A_166, %sub3A_174 : vector<16xi32>
      %jit3A_176 = arith.constant 0 : i32
      %broadcast_in_dim3A_177 = vector.broadcast %jit3A_176 : i32 to vector<16xi32>
      %select_n3A_178 = arith.select %and3A_173, %sub3A_175, %broadcast_in_dim3A_177 : vector<16xi1>, vector<16xi32>
      %add3A_179 = arith.constant 8192 : i32
      %add3A_180 = arith.addi %add3A_179, %add3A_164 : i32
      %add3A_181 = vector.broadcast %add3A_180 : i32 to vector<16xi32>
      %add3A_182 = arith.addi %add3A_181, %iota3A : vector<16xi32>
      tpu.vector_store_idx %arg6[%select_n3A_178], %add3A_182 masked %and3A_173 : memref<62504xi32, #tpu.memory_space<vmem>>[vector<16xi32>], vector<16xi32>, vector<16xi1>
      %gather3A_183 = tpu.vector_load_idx %arg6[%select_n3A_178] masked %and3A_173 : memref<62504xi32, #tpu.memory_space<vmem>>[vector<16xi32>], vector<16xi32>, vector<16xi1>
      %lt3A_184 = arith.cmpi slt, %gather3A_183, %add3A_182 : vector<16xi32>
      %and3A_185 = arith.andi %and3A_173, %lt3A_184 : vector<16xi1>
      %or3A_186 = arith.ori %or3A_160, %and3A_185 : vector<16xi1>
      %mul3A_187 = arith.constant 64 : i32
      %mul3A_188 = arith.muli %scan3A_117, %mul3A_187 : i32
      %add3A_189 = arith.constant 48 : i32
      %add3A_190 = arith.addi %mul3A_188, %add3A_189 : i32
      %get3A_191 = arith.index_cast %add3A_190 : i32 to index
      %get3A_192 = tpu.vector_load %arg4[%get3A_191] {strides = array<i32>} : memref<4096xi32, #tpu.memory_space<vmem>>, vector<16xi32>,
      %ge3A_193 = vector.broadcast %mul3A_0 : i32 to vector<16xi32>
      %ge3A_194 = arith.cmpi sge, %get3A_192, %ge3A_193 : vector<16xi32>
      %add3A_195 = arith.constant 62504 : i32
      %add3A_196 = arith.addi %mul3A_0, %add3A_195 : i32
      %lt3A_197 = vector.broadcast %add3A_196 : i32 to vector<16xi32>
      %lt3A_198 = arith.cmpi slt, %get3A_192, %lt3A_197 : vector<16xi32>
      %and3A_199 = arith.andi %ge3A_194, %lt3A_198 : vector<16xi1>
      %sub3A_200 = vector.broadcast %mul3A_0 : i32 to vector<16xi32>
      %sub3A_201 = arith.subi %get3A_192, %sub3A_200 : vector<16xi32>
      %jit3A_202 = arith.constant 0 : i32
      %broadcast_in_dim3A_203 = vector.broadcast %jit3A_202 : i32 to vector<16xi32>
      %select_n3A_204 = arith.select %and3A_199, %sub3A_201, %broadcast_in_dim3A_203 : vector<16xi1>, vector<16xi32>
      %add3A_205 = arith.constant 8192 : i32
      %add3A_206 = arith.addi %add3A_205, %add3A_190 : i32
      %add3A_207 = vector.broadcast %add3A_206 : i32 to vector<16xi32>
      %add3A_208 = arith.addi %add3A_207, %iota3A : vector<16xi32>
      tpu.vector_store_idx %arg6[%select_n3A_204], %add3A_208 masked %and3A_199 : memref<62504xi32, #tpu.memory_space<vmem>>[vector<16xi32>], vector<16xi32>, vector<16xi1>
      %gather3A_209 = tpu.vector_load_idx %arg6[%select_n3A_204] masked %and3A_199 : memref<62504xi32, #tpu.memory_space<vmem>>[vector<16xi32>], vector<16xi32>, vector<16xi1>
      %lt3A_210 = arith.cmpi slt, %gather3A_209, %add3A_208 : vector<16xi32>
      %and3A_211 = arith.andi %and3A_199, %lt3A_210 : vector<16xi1>
      %or3A_212 = arith.ori %or3A_186, %and3A_211 : vector<16xi1>
      scf.yield %or3A_212 : vector<16xi1>
    }
    %scan3A_74 = arith.constant 64 : i32
    %convert_element_type3A_75 = arith.extui %scan3A_73 : vector<16xi1> to vector<16xi32>
    %reduce_max3A_76 = arith.constant true
    %reduce_max3A_77 = vector.broadcast %reduce_max3A_76 : i1 to vector<16xi1>
    %reduce_max3A_78 = arith.constant -2147483648 : i32
    %reduce_max3A_79 = vector.broadcast %reduce_max3A_78 : i32 to vector<16xi32>
    %reduce_max3A_80 = arith.xori %convert_element_type3A_75, %reduce_max3A_79 : vector<16xi32>
    %reduce_max3A_81 = tpu.scan <max>, %reduce_max3A_80 masked %reduce_max3A_77 : vector<16xi32>, vector<16xi1> -> vector<16xi32>
    %reduce_max3A_82 = arith.xori %reduce_max3A_81, %reduce_max3A_79 : vector<16xi32>
    %reduce_max3A_83 = vector.extract %reduce_max3A_82[15] : i32 from vector<16xi32>
    %gt3A_84 = arith.constant 0 : i32
    %gt3A_85 = arith.cmpi sgt, %reduce_max3A_83, %gt3A_84 : i32
    %convert_element_type3A_86 = arith.extui %gt3A_85 : i1 to i32
    %cond3A_87 = arith.constant 2147483647 : i32
    %cond3A_88 = arith.constant 0 : i32
    %cond3A_89 = arith.cmpi ne, %convert_element_type3A_86, %cond3A_88 : i32
    scf.if %cond3A_89 {
      %scan3A_117 = arith.constant 0 : i32
      %scan3A_118 = arith.constant 0 : i32
      %scan3A_119 = arith.constant 256 : i32
      %scan3A_120 = arith.addi %scan3A_118, %scan3A_119 : i32
      %scan3A_121 = arith.constant 1 : i32
      scf.for %scan3A_123 = %scan3A_118 to %scan3A_120 step %scan3A_121  : i32 {
        %mul3A_124 = arith.constant 16 : i32
        %mul3A_125 = arith.muli %scan3A_123, %mul3A_124 : i32
        %get3A = arith.index_cast %mul3A_125 : i32 to index
        %get3A_126 = tpu.vector_load %arg4[%get3A] {strides = array<i32>} : memref<4096xi32, #tpu.memory_space<vmem>>, vector<16xi32>,
        %ge3A = vector.broadcast %mul3A_0 : i32 to vector<16xi32>
        %ge3A_127 = arith.cmpi sge, %get3A_126, %ge3A : vector<16xi32>
        %add3A = arith.constant 62504 : i32
        %add3A_128 = arith.addi %mul3A_0, %add3A : i32
        %lt3A = vector.broadcast %add3A_128 : i32 to vector<16xi32>
        %lt3A_129 = arith.cmpi slt, %get3A_126, %lt3A : vector<16xi32>
        %and3A = arith.andi %ge3A_127, %lt3A_129 : vector<16xi1>
        %mul3A_130 = arith.constant 16 : i32
        %mul3A_131 = vector.broadcast %mul3A_130 : i32 to vector<16xi32>
        %mul3A_132 = arith.muli %get3A_126, %mul3A_131 : vector<16xi32>
        %add3A_133 = arith.addi %mul3A_132, %iota3A : vector<16xi32>
        %broadcast_in_dim3A_134 = vector.broadcast %cond3A_87 : i32 to vector<16xi32>
        %select_n3A = arith.select %and3A, %add3A_133, %broadcast_in_dim3A_134 : vector<16xi1>, vector<16xi32>
        %mul3A_135 = arith.constant 16 : i32
        %mul3A_136 = arith.muli %scan3A_123, %mul3A_135 : i32
        %add3A_137 = arith.constant 8192 : i32
        %add3A_138 = arith.addi %add3A_137, %mul3A_136 : i32
        %add3A_139 = vector.broadcast %add3A_138 : i32 to vector<16xi32>
        %add3A_140 = arith.addi %add3A_139, %iota3A : vector<16xi32>
        %masked_sort3A = arith.constant dense<true> : vector<16xi1>
        %masked_sort3A_141 = arith.constant -2147483648 : i32
        %masked_sort3A_142 = vector.broadcast %masked_sort3A_141 : i32 to vector<16xi32>
        %masked_sort3A_143 = arith.xori %select_n3A, %masked_sort3A_142 : vector<16xi32>
        %masked_sort3A_144, %masked_sort3A_145, %masked_sort3A_146 = tpu.sort %masked_sort3A_143, %add3A_140 masked %masked_sort3A : (vector<16xi32>, vector<16xi32>, vector<16xi1>) -> (vector<16xi1>, vector<16xi32>, vector<16xi32>)
        %masked_sort3A_147 = arith.xori %masked_sort3A_145, %masked_sort3A_142 : vector<16xi32>
        %shift_right_arithmetic3A = arith.constant 4 : i32
        %shift_right_arithmetic3A_148 = vector.broadcast %shift_right_arithmetic3A : i32 to vector<16xi32>
        %shift_right_arithmetic3A_149 = arith.shrsi %masked_sort3A_147, %shift_right_arithmetic3A_148 : vector<16xi32>
        %swap3A = arith.constant 0 : index
        %swap3A_150 = tpu.vector_load %arg7[%swap3A] {strides = array<i32>} : memref<32xi32, #tpu.memory_space<vmem>>, vector<16xi32>,
        tpu.vector_store %arg7[%swap3A], %shift_right_arithmetic3A_149 {strides = array<i32>} : memref<32xi32, #tpu.memory_space<vmem>>, vector<16xi32>,
        %get3A_151 = arith.constant 1 : index
        %get3A_152 = tpu.vector_load %arg7[%get3A_151] {strides = array<i32>} : memref<32xi32, #tpu.memory_space<vmem>>, vector<16xi32>,
        %ne3A = vector.broadcast %cond3A_87 : i32 to vector<16xi32>
        %ne3A_153 = arith.cmpi ne, %masked_sort3A_147, %ne3A : vector<16xi32>
        %eq3A = arith.constant 15 : i32
        %eq3A_154 = vector.broadcast %eq3A : i32 to vector<16xi32>
        %eq3A_155 = arith.cmpi eq, %iota3A, %eq3A_154 : vector<16xi32>
        %ne3A_156 = arith.cmpi ne, %shift_right_arithmetic3A_149, %get3A_152 : vector<16xi32>
        %or3A = arith.ori %eq3A_155, %ne3A_156 : vector<16xi1>
        %and3A_157 = arith.andi %ne3A_153, %or3A : vector<16xi1>
        %sub3A = vector.broadcast %mul3A_0 : i32 to vector<16xi32>
        %sub3A_158 = arith.subi %shift_right_arithmetic3A_149, %sub3A : vector<16xi32>
        %jit3A = arith.constant 0 : i32
        %broadcast_in_dim3A_159 = vector.broadcast %jit3A : i32 to vector<16xi32>
        %select_n3A_160 = arith.select %and3A_157, %sub3A_158, %broadcast_in_dim3A_159 : vector<16xi1>, vector<16xi32>
        tpu.vector_store_idx %arg6[%select_n3A_160], %masked_sort3A_146 masked %and3A_157 : memref<62504xi32, #tpu.memory_space<vmem>>[vector<16xi32>], vector<16xi32>, vector<16xi1>
      }
      %scan3A_122 = arith.constant 256 : i32
    } else {
    }
    %dma_wait3A_90 = arith.constant 12288 : i32
    %dma_wait3A_91 = tpu.memref_slice %arg2[%dma_wait3A_90] : memref<16384xi32, #tpu.memory_space<hbm>> -> memref<4096xi32, #tpu.memory_space<hbm>>
    %dma_wait3A_92 = arith.constant 12288 : i32
    %dma_wait3A_93 = tpu.memref_slice %arg2[%dma_wait3A_92] : memref<16384xi32, #tpu.memory_space<hbm>> -> memref<4096xi32, #tpu.memory_space<hbm>>
    tpu.wait_dma2 semaphore(%arg9 : memref<!tpu.dma_semaphore, #tpu.memory_space<semaphore_mem>>) src(%dma_wait3A_93 : memref<4096xi32, #tpu.memory_space<hbm>>) dst(%arg5 : memref<4096xi32, #tpu.memory_space<vmem>>)
    %broadcast_in_dim3A_94 = arith.constant false
    %broadcast_in_dim3A_95 = vector.broadcast %broadcast_in_dim3A_94 : i1 to vector<16xi1>
    %scan3A_96 = arith.constant 0 : i32
    %scan3A_97 = arith.constant 64 : i32
    %scan3A_98 = arith.addi %scan3A_96, %scan3A_97 : i32
    %scan3A_99 = arith.constant 1 : i32
    %scan3A_100 = scf.for %scan3A_117 = %scan3A_96 to %scan3A_98 step %scan3A_99 iter_args(%scan3A_118 = %broadcast_in_dim3A_95) -> (vector<16xi1>)  : i32 {
      %mul3A_119 = arith.constant 64 : i32
      %mul3A_120 = arith.muli %scan3A_117, %mul3A_119 : i32
      %add3A = arith.constant 0 : i32
      %add3A_121 = arith.addi %mul3A_120, %add3A : i32
      %get3A = arith.index_cast %add3A_121 : i32 to index
      %get3A_122 = tpu.vector_load %arg5[%get3A] {strides = array<i32>} : memref<4096xi32, #tpu.memory_space<vmem>>, vector<16xi32>,
      %ge3A = vector.broadcast %mul3A_0 : i32 to vector<16xi32>
      %ge3A_123 = arith.cmpi sge, %get3A_122, %ge3A : vector<16xi32>
      %add3A_124 = arith.constant 62504 : i32
      %add3A_125 = arith.addi %mul3A_0, %add3A_124 : i32
      %lt3A = vector.broadcast %add3A_125 : i32 to vector<16xi32>
      %lt3A_126 = arith.cmpi slt, %get3A_122, %lt3A : vector<16xi32>
      %and3A = arith.andi %ge3A_123, %lt3A_126 : vector<16xi1>
      %sub3A = vector.broadcast %mul3A_0 : i32 to vector<16xi32>
      %sub3A_127 = arith.subi %get3A_122, %sub3A : vector<16xi32>
      %jit3A = arith.constant 0 : i32
      %broadcast_in_dim3A_128 = vector.broadcast %jit3A : i32 to vector<16xi32>
      %select_n3A = arith.select %and3A, %sub3A_127, %broadcast_in_dim3A_128 : vector<16xi1>, vector<16xi32>
      %add3A_129 = arith.constant 12288 : i32
      %add3A_130 = arith.addi %add3A_129, %add3A_121 : i32
      %add3A_131 = vector.broadcast %add3A_130 : i32 to vector<16xi32>
      %add3A_132 = arith.addi %add3A_131, %iota3A : vector<16xi32>
      tpu.vector_store_idx %arg6[%select_n3A], %add3A_132 masked %and3A : memref<62504xi32, #tpu.memory_space<vmem>>[vector<16xi32>], vector<16xi32>, vector<16xi1>
      %gather3A = tpu.vector_load_idx %arg6[%select_n3A] masked %and3A : memref<62504xi32, #tpu.memory_space<vmem>>[vector<16xi32>], vector<16xi32>, vector<16xi1>
      %lt3A_133 = arith.cmpi slt, %gather3A, %add3A_132 : vector<16xi32>
      %and3A_134 = arith.andi %and3A, %lt3A_133 : vector<16xi1>
      %or3A = arith.ori %scan3A_118, %and3A_134 : vector<16xi1>
      %mul3A_135 = arith.constant 64 : i32
      %mul3A_136 = arith.muli %scan3A_117, %mul3A_135 : i32
      %add3A_137 = arith.constant 16 : i32
      %add3A_138 = arith.addi %mul3A_136, %add3A_137 : i32
      %get3A_139 = arith.index_cast %add3A_138 : i32 to index
      %get3A_140 = tpu.vector_load %arg5[%get3A_139] {strides = array<i32>} : memref<4096xi32, #tpu.memory_space<vmem>>, vector<16xi32>,
      %ge3A_141 = vector.broadcast %mul3A_0 : i32 to vector<16xi32>
      %ge3A_142 = arith.cmpi sge, %get3A_140, %ge3A_141 : vector<16xi32>
      %add3A_143 = arith.constant 62504 : i32
      %add3A_144 = arith.addi %mul3A_0, %add3A_143 : i32
      %lt3A_145 = vector.broadcast %add3A_144 : i32 to vector<16xi32>
      %lt3A_146 = arith.cmpi slt, %get3A_140, %lt3A_145 : vector<16xi32>
      %and3A_147 = arith.andi %ge3A_142, %lt3A_146 : vector<16xi1>
      %sub3A_148 = vector.broadcast %mul3A_0 : i32 to vector<16xi32>
      %sub3A_149 = arith.subi %get3A_140, %sub3A_148 : vector<16xi32>
      %jit3A_150 = arith.constant 0 : i32
      %broadcast_in_dim3A_151 = vector.broadcast %jit3A_150 : i32 to vector<16xi32>
      %select_n3A_152 = arith.select %and3A_147, %sub3A_149, %broadcast_in_dim3A_151 : vector<16xi1>, vector<16xi32>
      %add3A_153 = arith.constant 12288 : i32
      %add3A_154 = arith.addi %add3A_153, %add3A_138 : i32
      %add3A_155 = vector.broadcast %add3A_154 : i32 to vector<16xi32>
      %add3A_156 = arith.addi %add3A_155, %iota3A : vector<16xi32>
      tpu.vector_store_idx %arg6[%select_n3A_152], %add3A_156 masked %and3A_147 : memref<62504xi32, #tpu.memory_space<vmem>>[vector<16xi32>], vector<16xi32>, vector<16xi1>
      %gather3A_157 = tpu.vector_load_idx %arg6[%select_n3A_152] masked %and3A_147 : memref<62504xi32, #tpu.memory_space<vmem>>[vector<16xi32>], vector<16xi32>, vector<16xi1>
      %lt3A_158 = arith.cmpi slt, %gather3A_157, %add3A_156 : vector<16xi32>
      %and3A_159 = arith.andi %and3A_147, %lt3A_158 : vector<16xi1>
      %or3A_160 = arith.ori %or3A, %and3A_159 : vector<16xi1>
      %mul3A_161 = arith.constant 64 : i32
      %mul3A_162 = arith.muli %scan3A_117, %mul3A_161 : i32
      %add3A_163 = arith.constant 32 : i32
      %add3A_164 = arith.addi %mul3A_162, %add3A_163 : i32
      %get3A_165 = arith.index_cast %add3A_164 : i32 to index
      %get3A_166 = tpu.vector_load %arg5[%get3A_165] {strides = array<i32>} : memref<4096xi32, #tpu.memory_space<vmem>>, vector<16xi32>,
      %ge3A_167 = vector.broadcast %mul3A_0 : i32 to vector<16xi32>
      %ge3A_168 = arith.cmpi sge, %get3A_166, %ge3A_167 : vector<16xi32>
      %add3A_169 = arith.constant 62504 : i32
      %add3A_170 = arith.addi %mul3A_0, %add3A_169 : i32
      %lt3A_171 = vector.broadcast %add3A_170 : i32 to vector<16xi32>
      %lt3A_172 = arith.cmpi slt, %get3A_166, %lt3A_171 : vector<16xi32>
      %and3A_173 = arith.andi %ge3A_168, %lt3A_172 : vector<16xi1>
      %sub3A_174 = vector.broadcast %mul3A_0 : i32 to vector<16xi32>
      %sub3A_175 = arith.subi %get3A_166, %sub3A_174 : vector<16xi32>
      %jit3A_176 = arith.constant 0 : i32
      %broadcast_in_dim3A_177 = vector.broadcast %jit3A_176 : i32 to vector<16xi32>
      %select_n3A_178 = arith.select %and3A_173, %sub3A_175, %broadcast_in_dim3A_177 : vector<16xi1>, vector<16xi32>
      %add3A_179 = arith.constant 12288 : i32
      %add3A_180 = arith.addi %add3A_179, %add3A_164 : i32
      %add3A_181 = vector.broadcast %add3A_180 : i32 to vector<16xi32>
      %add3A_182 = arith.addi %add3A_181, %iota3A : vector<16xi32>
      tpu.vector_store_idx %arg6[%select_n3A_178], %add3A_182 masked %and3A_173 : memref<62504xi32, #tpu.memory_space<vmem>>[vector<16xi32>], vector<16xi32>, vector<16xi1>
      %gather3A_183 = tpu.vector_load_idx %arg6[%select_n3A_178] masked %and3A_173 : memref<62504xi32, #tpu.memory_space<vmem>>[vector<16xi32>], vector<16xi32>, vector<16xi1>
      %lt3A_184 = arith.cmpi slt, %gather3A_183, %add3A_182 : vector<16xi32>
      %and3A_185 = arith.andi %and3A_173, %lt3A_184 : vector<16xi1>
      %or3A_186 = arith.ori %or3A_160, %and3A_185 : vector<16xi1>
      %mul3A_187 = arith.constant 64 : i32
      %mul3A_188 = arith.muli %scan3A_117, %mul3A_187 : i32
      %add3A_189 = arith.constant 48 : i32
      %add3A_190 = arith.addi %mul3A_188, %add3A_189 : i32
      %get3A_191 = arith.index_cast %add3A_190 : i32 to index
      %get3A_192 = tpu.vector_load %arg5[%get3A_191] {strides = array<i32>} : memref<4096xi32, #tpu.memory_space<vmem>>, vector<16xi32>,
      %ge3A_193 = vector.broadcast %mul3A_0 : i32 to vector<16xi32>
      %ge3A_194 = arith.cmpi sge, %get3A_192, %ge3A_193 : vector<16xi32>
      %add3A_195 = arith.constant 62504 : i32
      %add3A_196 = arith.addi %mul3A_0, %add3A_195 : i32
      %lt3A_197 = vector.broadcast %add3A_196 : i32 to vector<16xi32>
      %lt3A_198 = arith.cmpi slt, %get3A_192, %lt3A_197 : vector<16xi32>
      %and3A_199 = arith.andi %ge3A_194, %lt3A_198 : vector<16xi1>
      %sub3A_200 = vector.broadcast %mul3A_0 : i32 to vector<16xi32>
      %sub3A_201 = arith.subi %get3A_192, %sub3A_200 : vector<16xi32>
      %jit3A_202 = arith.constant 0 : i32
      %broadcast_in_dim3A_203 = vector.broadcast %jit3A_202 : i32 to vector<16xi32>
      %select_n3A_204 = arith.select %and3A_199, %sub3A_201, %broadcast_in_dim3A_203 : vector<16xi1>, vector<16xi32>
      %add3A_205 = arith.constant 12288 : i32
      %add3A_206 = arith.addi %add3A_205, %add3A_190 : i32
      %add3A_207 = vector.broadcast %add3A_206 : i32 to vector<16xi32>
      %add3A_208 = arith.addi %add3A_207, %iota3A : vector<16xi32>
      tpu.vector_store_idx %arg6[%select_n3A_204], %add3A_208 masked %and3A_199 : memref<62504xi32, #tpu.memory_space<vmem>>[vector<16xi32>], vector<16xi32>, vector<16xi1>
      %gather3A_209 = tpu.vector_load_idx %arg6[%select_n3A_204] masked %and3A_199 : memref<62504xi32, #tpu.memory_space<vmem>>[vector<16xi32>], vector<16xi32>, vector<16xi1>
      %lt3A_210 = arith.cmpi slt, %gather3A_209, %add3A_208 : vector<16xi32>
      %and3A_211 = arith.andi %and3A_199, %lt3A_210 : vector<16xi1>
      %or3A_212 = arith.ori %or3A_186, %and3A_211 : vector<16xi1>
      scf.yield %or3A_212 : vector<16xi1>
    }
    %scan3A_101 = arith.constant 64 : i32
    %convert_element_type3A_102 = arith.extui %scan3A_100 : vector<16xi1> to vector<16xi32>
    %reduce_max3A_103 = arith.constant true
    %reduce_max3A_104 = vector.broadcast %reduce_max3A_103 : i1 to vector<16xi1>
    %reduce_max3A_105 = arith.constant -2147483648 : i32
    %reduce_max3A_106 = vector.broadcast %reduce_max3A_105 : i32 to vector<16xi32>
    %reduce_max3A_107 = arith.xori %convert_element_type3A_102, %reduce_max3A_106 : vector<16xi32>
    %reduce_max3A_108 = tpu.scan <max>, %reduce_max3A_107 masked %reduce_max3A_104 : vector<16xi32>, vector<16xi1> -> vector<16xi32>
    %reduce_max3A_109 = arith.xori %reduce_max3A_108, %reduce_max3A_106 : vector<16xi32>
    %reduce_max3A_110 = vector.extract %reduce_max3A_109[15] : i32 from vector<16xi32>
    %gt3A_111 = arith.constant 0 : i32
    %gt3A_112 = arith.cmpi sgt, %reduce_max3A_110, %gt3A_111 : i32
    %convert_element_type3A_113 = arith.extui %gt3A_112 : i1 to i32
    %cond3A_114 = arith.constant 2147483647 : i32
    %cond3A_115 = arith.constant 0 : i32
    %cond3A_116 = arith.cmpi ne, %convert_element_type3A_113, %cond3A_115 : i32
    scf.if %cond3A_116 {
      %scan3A_117 = arith.constant 0 : i32
      %scan3A_118 = arith.constant 0 : i32
      %scan3A_119 = arith.constant 256 : i32
      %scan3A_120 = arith.addi %scan3A_118, %scan3A_119 : i32
      %scan3A_121 = arith.constant 1 : i32
      scf.for %scan3A_123 = %scan3A_118 to %scan3A_120 step %scan3A_121  : i32 {
        %mul3A_124 = arith.constant 16 : i32
        %mul3A_125 = arith.muli %scan3A_123, %mul3A_124 : i32
        %get3A = arith.index_cast %mul3A_125 : i32 to index
        %get3A_126 = tpu.vector_load %arg5[%get3A] {strides = array<i32>} : memref<4096xi32, #tpu.memory_space<vmem>>, vector<16xi32>,
        %ge3A = vector.broadcast %mul3A_0 : i32 to vector<16xi32>
        %ge3A_127 = arith.cmpi sge, %get3A_126, %ge3A : vector<16xi32>
        %add3A = arith.constant 62504 : i32
        %add3A_128 = arith.addi %mul3A_0, %add3A : i32
        %lt3A = vector.broadcast %add3A_128 : i32 to vector<16xi32>
        %lt3A_129 = arith.cmpi slt, %get3A_126, %lt3A : vector<16xi32>
        %and3A = arith.andi %ge3A_127, %lt3A_129 : vector<16xi1>
        %mul3A_130 = arith.constant 16 : i32
        %mul3A_131 = vector.broadcast %mul3A_130 : i32 to vector<16xi32>
        %mul3A_132 = arith.muli %get3A_126, %mul3A_131 : vector<16xi32>
        %add3A_133 = arith.addi %mul3A_132, %iota3A : vector<16xi32>
        %broadcast_in_dim3A_134 = vector.broadcast %cond3A_114 : i32 to vector<16xi32>
        %select_n3A = arith.select %and3A, %add3A_133, %broadcast_in_dim3A_134 : vector<16xi1>, vector<16xi32>
        %mul3A_135 = arith.constant 16 : i32
        %mul3A_136 = arith.muli %scan3A_123, %mul3A_135 : i32
        %add3A_137 = arith.constant 12288 : i32
        %add3A_138 = arith.addi %add3A_137, %mul3A_136 : i32
        %add3A_139 = vector.broadcast %add3A_138 : i32 to vector<16xi32>
        %add3A_140 = arith.addi %add3A_139, %iota3A : vector<16xi32>
        %masked_sort3A = arith.constant dense<true> : vector<16xi1>
        %masked_sort3A_141 = arith.constant -2147483648 : i32
        %masked_sort3A_142 = vector.broadcast %masked_sort3A_141 : i32 to vector<16xi32>
        %masked_sort3A_143 = arith.xori %select_n3A, %masked_sort3A_142 : vector<16xi32>
        %masked_sort3A_144, %masked_sort3A_145, %masked_sort3A_146 = tpu.sort %masked_sort3A_143, %add3A_140 masked %masked_sort3A : (vector<16xi32>, vector<16xi32>, vector<16xi1>) -> (vector<16xi1>, vector<16xi32>, vector<16xi32>)
        %masked_sort3A_147 = arith.xori %masked_sort3A_145, %masked_sort3A_142 : vector<16xi32>
        %shift_right_arithmetic3A = arith.constant 4 : i32
        %shift_right_arithmetic3A_148 = vector.broadcast %shift_right_arithmetic3A : i32 to vector<16xi32>
        %shift_right_arithmetic3A_149 = arith.shrsi %masked_sort3A_147, %shift_right_arithmetic3A_148 : vector<16xi32>
        %swap3A = arith.constant 0 : index
        %swap3A_150 = tpu.vector_load %arg7[%swap3A] {strides = array<i32>} : memref<32xi32, #tpu.memory_space<vmem>>, vector<16xi32>,
        tpu.vector_store %arg7[%swap3A], %shift_right_arithmetic3A_149 {strides = array<i32>} : memref<32xi32, #tpu.memory_space<vmem>>, vector<16xi32>,
        %get3A_151 = arith.constant 1 : index
        %get3A_152 = tpu.vector_load %arg7[%get3A_151] {strides = array<i32>} : memref<32xi32, #tpu.memory_space<vmem>>, vector<16xi32>,
        %ne3A = vector.broadcast %cond3A_114 : i32 to vector<16xi32>
        %ne3A_153 = arith.cmpi ne, %masked_sort3A_147, %ne3A : vector<16xi32>
        %eq3A = arith.constant 15 : i32
        %eq3A_154 = vector.broadcast %eq3A : i32 to vector<16xi32>
        %eq3A_155 = arith.cmpi eq, %iota3A, %eq3A_154 : vector<16xi32>
        %ne3A_156 = arith.cmpi ne, %shift_right_arithmetic3A_149, %get3A_152 : vector<16xi32>
        %or3A = arith.ori %eq3A_155, %ne3A_156 : vector<16xi1>
        %and3A_157 = arith.andi %ne3A_153, %or3A : vector<16xi1>
        %sub3A = vector.broadcast %mul3A_0 : i32 to vector<16xi32>
        %sub3A_158 = arith.subi %shift_right_arithmetic3A_149, %sub3A : vector<16xi32>
        %jit3A = arith.constant 0 : i32
        %broadcast_in_dim3A_159 = vector.broadcast %jit3A : i32 to vector<16xi32>
        %select_n3A_160 = arith.select %and3A_157, %sub3A_158, %broadcast_in_dim3A_159 : vector<16xi1>, vector<16xi32>
        tpu.vector_store_idx %arg6[%select_n3A_160], %masked_sort3A_146 masked %and3A_157 : memref<62504xi32, #tpu.memory_space<vmem>>[vector<16xi32>], vector<16xi32>, vector<16xi1>
      }
      %scan3A_122 = arith.constant 256 : i32
    } else {
    }
    "tpu.region"() ({
      %run_scoped3A = tpu.sem_alloc : memref<!tpu.dma_semaphore, #tpu.memory_space<semaphore_mem>>
      %dma_start3A_117 = tpu.memref_slice %arg3[%mul3A_0] : memref<1000064xi32, #tpu.memory_space<hbm>> -> memref<62504xi32, #tpu.memory_space<hbm>>
      %dma_start3A_118 = tpu.memref_slice %arg3[%mul3A_0] : memref<1000064xi32, #tpu.memory_space<hbm>> -> memref<62504xi32, #tpu.memory_space<hbm>>
      tpu.enqueue_dma source(%arg6 : memref<62504xi32, #tpu.memory_space<vmem>>) target(%dma_start3A_118 : memref<62504xi32, #tpu.memory_space<hbm>>) target_semaphore(%run_scoped3A : memref<!tpu.dma_semaphore, #tpu.memory_space<semaphore_mem>>)
      %dma_wait3A_119 = tpu.memref_slice %arg3[%mul3A_0] : memref<1000064xi32, #tpu.memory_space<hbm>> -> memref<62504xi32, #tpu.memory_space<hbm>>
      %dma_wait3A_120 = tpu.memref_slice %arg3[%mul3A_0] : memref<1000064xi32, #tpu.memory_space<hbm>> -> memref<62504xi32, #tpu.memory_space<hbm>>
      tpu.wait_dma2 semaphore(%run_scoped3A : memref<!tpu.dma_semaphore, #tpu.memory_space<semaphore_mem>>) src(%arg6 : memref<62504xi32, #tpu.memory_space<vmem>>) dst(%dma_wait3A_120 : memref<62504xi32, #tpu.memory_space<hbm>>)
      tpu.yield
    }) : () -> ()
    return
  }
}

module attributes {stable_mosaic.version = 14 : i64} {
  func.func @_probs_body(%arg0: i32, %arg1: memref<100x4096xf32, #tpu.memory_space<vmem>>, %arg2: memref<4096x128xf32, #tpu.memory_space<vmem>>) attributes {dimension_semantics = [#tpu.dimension_semantics<arbitrary>], iteration_bounds = array<i64: 4>, scalar_prefetch = 0 : i64, scratch_operands = 0 : i64, tpu.core_type = #tpu.core_type<tc>, window_params = [{transform_indices = @transform_0, window_bounds = array<i64: 100, 4096>}, {transform_indices = @transform_1, window_bounds = array<i64: 4096, 128>}]} {
    %get3A = arith.constant 0 : index
    %get3A_0 = arith.constant 0 : index
    %get3A_1 = vector.load %arg1[%get3A, %get3A_0] : memref<100x4096xf32, #tpu.memory_space<vmem>>, vector<100x4096xf32>
    %reduce_max3A = arith.constant dense<0xFF800000> : vector<4096xf32>
    %reduce_max3A_2 = vector.multi_reduction <maximumf>, %get3A_1, %reduce_max3A [0] : vector<100x4096xf32> to vector<4096xf32>
    %broadcast_in_dim3A = vector.shape_cast %reduce_max3A_2 : vector<4096xf32> to vector<1x4096xf32>
    %sub3A = vector.broadcast %broadcast_in_dim3A : vector<1x4096xf32> to vector<100x4096xf32>
    %sub3A_3 = arith.subf %get3A_1, %sub3A : vector<100x4096xf32>
    %exp3A = math.exp %sub3A_3 : vector<100x4096xf32>
    %reduce_sum3A = arith.constant dense<0.000000e+00> : vector<4096xf32>
    %reduce_sum3A_4 = vector.multi_reduction <add>, %exp3A, %reduce_sum3A [0] : vector<100x4096xf32> to vector<4096xf32>
    %broadcast_in_dim3A_5 = vector.shape_cast %reduce_sum3A_4 : vector<4096xf32> to vector<1x4096xf32>
    %div3A = vector.broadcast %broadcast_in_dim3A_5 : vector<1x4096xf32> to vector<100x4096xf32>
    %div3A_6 = arith.divf %exp3A, %div3A : vector<100x4096xf32>
    %jit3A = arith.constant 9.99999974E-5 : f32
    %jit3A_7 = arith.constant 0.999899983 : f32
    %max3A = vector.broadcast %jit3A : f32 to vector<100x4096xf32>
    %max3A_8 = arith.maximumf %max3A, %div3A_6 : vector<100x4096xf32>
    %min3A = vector.broadcast %jit3A_7 : f32 to vector<100x4096xf32>
    %min3A_9 = arith.minimumf %min3A, %max3A_8 : vector<100x4096xf32>
    %reduce_sum3A_10 = arith.constant dense<0.000000e+00> : vector<4096xf32>
    %reduce_sum3A_11 = vector.multi_reduction <add>, %min3A_9, %reduce_sum3A_10 [0] : vector<100x4096xf32> to vector<4096xf32>
    %broadcast_in_dim3A_12 = vector.shape_cast %reduce_sum3A_11 : vector<4096xf32> to vector<1x4096xf32>
    %concatenate3A = tpu.concatenate %min3A_9, %broadcast_in_dim3A_12 in 0 : vector<100x4096xf32>, vector<1x4096xf32> -> vector<101x4096xf32>
    %iota3A = tpu.iota {dimensions = array<i32: 0>} : vector<101x128xi32>
    %iota3A_13 = tpu.iota {dimensions = array<i32: 1>} : vector<101x128xi32>
    %eq3A = arith.cmpi eq, %iota3A, %iota3A_13 : vector<101x128xi32>
    %jit3A_14 = arith.constant 1.000000e+00 : f32
    %jit3A_15 = arith.constant 0.000000e+00 : f32
    %broadcast_in_dim3A_16 = vector.broadcast %jit3A_14 : f32 to vector<101x128xf32>
    %broadcast_in_dim3A_17 = vector.broadcast %jit3A_15 : f32 to vector<101x128xf32>
    %select_n3A = arith.select %eq3A, %broadcast_in_dim3A_16, %broadcast_in_dim3A_17 : vector<101x128xi1>, vector<101x128xf32>
    %dot_general3A = arith.constant dense<0.000000e+00> : vector<4096x128xf32>
    %dot_general3A_18 = tpu.matmul %concatenate3A, %select_n3A, %dot_general3A {dimension_numbers = #tpu.dot_dimension_numbers<[0], [0], [1], [1], [0, 1, 1, 1], [], []>, precision = #tpu.contract_precision<fp32>, transpose_lhs_hint = false} : vector<101x4096xf32>, vector<101x128xf32>, vector<4096x128xf32> -> vector<4096x128xf32>
    %swap3A = arith.constant 0 : index
    %swap3A_19 = arith.constant 0 : index
    %swap3A_20 = vector.load %arg2[%swap3A, %swap3A_19] : memref<4096x128xf32, #tpu.memory_space<vmem>>, vector<4096x128xf32>
    tpu.vector_store %arg2[%swap3A, %swap3A_19], %dot_general3A_18 {strides = array<i32>} : memref<4096x128xf32, #tpu.memory_space<vmem>>, vector<4096x128xf32>,
    return
  }
  func.func @transform_0(%arg0: i32) -> (i32, i32) {
    %c0_i32 = arith.constant 0 : i32
    %c0_i32_0 = arith.constant 0 : i32
    return %c0_i32, %arg0 : i32, i32
  }
  func.func @transform_1(%arg0: i32) -> (i32, i32) {
    %c0_i32 = arith.constant 0 : i32
    %c0_i32_0 = arith.constant 0 : i32
    return %arg0, %c0_i32 : i32, i32
  }
}

module attributes {stable_mosaic.version = 14 : i64} {
  func.func @_loss_body(%arg0: i32, %arg1: memref<4096x128xf32, #tpu.memory_space<vmem>>, %arg2: memref<4096x128xf32, #tpu.memory_space<vmem>>, %arg3: memref<1x1xf32, #tpu.memory_space<vmem>>) attributes {dimension_semantics = [#tpu.dimension_semantics<arbitrary>], iteration_bounds = array<i64: 4>, scalar_prefetch = 0 : i64, scratch_operands = 0 : i64, tpu.core_type = #tpu.core_type<tc>, window_params = [{transform_indices = @transform_0, window_bounds = array<i64: 4096, 128>}, {transform_indices = @transform_1, window_bounds = array<i64: 4096, 128>}, {pipeline_mode = #tpu.pipeline_mode<synchronous>, transform_indices = @transform_2, window_bounds = array<i64: 1, 1>}]} {
    %get3A = arith.constant 0 : index
    %get3A_0 = arith.constant 0 : index
    %get3A_1 = vector.load %arg1[%get3A, %get3A_0] : memref<4096x128xf32, #tpu.memory_space<vmem>>, vector<4096x128xf32>
    %get3A_2 = arith.constant 0 : index
    %get3A_3 = arith.constant 0 : index
    %get3A_4 = vector.load %arg2[%get3A_2, %get3A_3] : memref<4096x128xf32, #tpu.memory_space<vmem>>, vector<4096x128xf32>
    %slice3A = vector.extract_strided_slice %get3A_4 {offsets = [0, 0], sizes = [4096, 100], strides = [1, 1]} : vector<4096x128xf32> to vector<4096x100xf32>
    %slice3A_5 = vector.extract_strided_slice %get3A_1 {offsets = [0, 0], sizes = [4096, 100], strides = [1, 1]} : vector<4096x128xf32> to vector<4096x100xf32>
    %mul3A = arith.mulf %slice3A, %slice3A_5 : vector<4096x100xf32>
    %reduce_sum3A = arith.constant dense<0.000000e+00> : vector<4096xf32>
    %reduce_sum3A_6 = vector.multi_reduction <add>, %mul3A, %reduce_sum3A [1] : vector<4096x100xf32> to vector<4096xf32>
    %broadcast_in_dim3A = vector.shape_cast %reduce_sum3A_6 : vector<4096xf32> to vector<4096x1xf32>
    %slice3A_7 = vector.extract_strided_slice %get3A_4 {offsets = [0, 100], sizes = [4096, 1], strides = [1, 1]} : vector<4096x128xf32> to vector<4096x1xf32>
    %mul3A_8 = arith.constant 3.000000e-01 : f32
    %mul3A_9 = vector.broadcast %mul3A_8 : f32 to vector<4096x1xf32>
    %mul3A_10 = arith.mulf %mul3A_9, %broadcast_in_dim3A : vector<4096x1xf32>
    %div3A = arith.divf %mul3A_10, %slice3A_7 : vector<4096x1xf32>
    %sub3A = arith.constant 1.000000e+00 : f32
    %sub3A_11 = vector.broadcast %sub3A : f32 to vector<4096x1xf32>
    %sub3A_12 = arith.subf %sub3A_11, %div3A : vector<4096x1xf32>
    %log3A = math.log %sub3A_12 : vector<4096x1xf32>
    %reduce_sum3A_13 = vector.shape_cast %log3A : vector<4096x1xf32> to vector<1x4096x1xf32>
    %reduce_sum3A_14 = arith.constant dense<0.000000e+00> : vector<1xf32>
    %reduce_sum3A_15 = vector.multi_reduction <add>, %reduce_sum3A_13, %reduce_sum3A_14 [1, 2] : vector<1x4096x1xf32> to vector<1xf32>
    %reduce_sum3A_16 = vector.shape_cast %reduce_sum3A_15 : vector<1xf32> to vector<1x1x1xf32>
    %reduce_sum3A_17 = vector.extract %reduce_sum3A_16[0, 0, 0] : f32 from vector<1x1x1xf32>
    %reshape3A = vector.broadcast %reduce_sum3A_17 : f32 to vector<1x1xf32>
    %eq3A = arith.constant 0 : i32
    %eq3A_18 = arith.cmpi eq, %arg0, %eq3A : i32
    %convert_element_type3A = arith.extui %eq3A_18 : i1 to i32
    %cond3A = arith.constant 0 : i32
    %cond3A_19 = arith.cmpi ne, %convert_element_type3A, %cond3A : i32
    scf.if %cond3A_19 {
      %broadcast_in_dim3A_25 = arith.constant 0.000000e+00 : f32
      %broadcast_in_dim3A_26 = vector.broadcast %broadcast_in_dim3A_25 : f32 to vector<1x1xf32>
      %swap3A_27 = arith.constant 0 : index
      %swap3A_28 = arith.constant 0 : index
      %swap3A_29 = vector.load %arg3[%swap3A_27, %swap3A_28] : memref<1x1xf32, #tpu.memory_space<vmem>>, vector<1x1xf32>
      tpu.vector_store %arg3[%swap3A_27, %swap3A_28], %broadcast_in_dim3A_26 {strides = array<i32>} : memref<1x1xf32, #tpu.memory_space<vmem>>, vector<1x1xf32>,
    } else {
    }
    %get3A_20 = arith.constant 0 : index
    %get3A_21 = arith.constant 0 : index
    %get3A_22 = vector.load %arg3[%get3A_20, %get3A_21] : memref<1x1xf32, #tpu.memory_space<vmem>>, vector<1x1xf32>
    %add3A = arith.addf %get3A_22, %reshape3A : vector<1x1xf32>
    %swap3A = arith.constant 0 : index
    %swap3A_23 = arith.constant 0 : index
    %swap3A_24 = vector.load %arg3[%swap3A, %swap3A_23] : memref<1x1xf32, #tpu.memory_space<vmem>>, vector<1x1xf32>
    tpu.vector_store %arg3[%swap3A, %swap3A_23], %add3A {strides = array<i32>} : memref<1x1xf32, #tpu.memory_space<vmem>>, vector<1x1xf32>,
    return
  }
  func.func @transform_0(%arg0: i32) -> (i32, i32) {
    %c0_i32 = arith.constant 0 : i32
    %c0_i32_0 = arith.constant 0 : i32
    return %arg0, %c0_i32 : i32, i32
  }
  func.func @transform_1(%arg0: i32) -> (i32, i32) {
    %c0_i32 = arith.constant 0 : i32
    %c0_i32_0 = arith.constant 0 : i32
    return %arg0, %c0_i32 : i32, i32
  }
  func.func @transform_2(%arg0: i32) -> (i32, i32) {
    %c0_i32 = arith.constant 0 : i32
    %c0_i32_0 = arith.constant 0 : i32
    %c0_i32_1 = arith.constant 0 : i32
    return %c0_i32, %c0_i32_0 : i32, i32
  }
}

</mosaic_0001>

<sc_bundles>
// kernel: kernel.6.cloned.1.call-start
scs
__scs_entry_jumppad:
0x0: {  	(pc) =	sbr.rel $0x88, $3  }
0x1: {  	(tag) =	ssettag $0x0;
	lr =	simm.s32 $0x1  }
0x2: {  	[smem:$0x3F9F] =	sst lr;
	_ =	strace $0xD0000000  }
0x3: {  	_ = 	snop  }
0x4: {  	_ = 	snop  }
0x5: {  	_ = 	snop  }
0x6: {  	_ = 	snop  }
0x7: {  	_ = 	snop  }
__scs_overlays_trampoline_lowered:
0x8: {  	[smem:$0x3FAE] =	sst s0  }
0x9: {  	[smem:$0x3FAF] =	sst s1  }
0xa: {  	[smem:$0x3FB0] =	sst s2  }
0xb: {  	[smem:$0x3FB1] =	sst s3  }
0xc: {  	[smem:$0x3FB2] =	sst s4  }
0xd: {  	[smem:$0x3FB3] =	sst s5  }
0xe: {  	[smem:$0x3FB4] =	sst s6  }
0xf: {  	[smem:$0x3FB5] =	sst s7  }
0x10: {  	[smem:$0x3FB6] =	sst s8  }
0x11: {  	[smem:$0x3FB7] =	sst s9;
	s0 =	simm.s32 @!p0 $0x0  }
0x12: {  	s1 =	sld [smem:$0x3F9D];
	s0 =	simm.s32 @p0 $0x1  }
0x13: {  	[smem:$0x3FB8] =	sst s0;
	s0 =	simm.s32 @!p1 $0x0  }
0x14: {  	s2 =	sld [smem:$0x3F9C];
	s0 =	simm.s32 @p1 $0x1  }
0x15: {  	[smem:$0x3FB9] =	sst s0;
	s0 =	simm.s32 @!p2 $0x0  }
0x16: {  	s3 =	sld [smem:$0x3FDB];
	s0 =	simm.s32 @p2 $0x1  }
0x17: {  	s4 =	simm.s32 $0x1BF5;
	[smem:$0x3FBB] =	sst s0  }
0x18: {  	s0 =	sld [smem:$0x3F9E];
	_ =	swait.ge [sflag:s4], $0x0  }
0x19: {  	s7 =	sld [smem:$0x3F9F]  }
0x1a: {  	s8 =	sadd.s32 $0xFFFFE003, lr  }
0x1b: {  	s9 =	sadd.s32 $0xFFFFFEF7, lr;
	s5 =	simm.s32 $0xFFFFFFFF;
	p2 =	slt.u32 s8, $0xFFFFF086  }
0x1c: {  	p1 =	slt.u32 s9, $0xF7A;
	s5 =	simm.s32 @!p2 $0x0  }
0x1d: {  	s5 =	simm.s32 @p1 $0x1;
	p0 =	seq.s32 s7, s2  }
0x1e: {  	s7 =	smul.u32 @!p0 $0xF7A, s2;
	p2 =	seq.s32 @!p0 s5, $0x0  }
0x1f: {  	s9 =	smul.u32 $0xF7A, s1;
	s8 =	simm.s32 @!p0 $0x1BF5;
	p2 =	por !p2, p0  }
0x20: {  	[sflag:s8] =	ssyncset.s32 @!p0 $0xFFFFF086;
	s6 =	sadd.s32 @!p0 s3, s7;
	s7 =	simm.s32 @!p0 $0x108  }
0x21: {  	s3 =	sadd.s32 s3, s9;
	s6 =	sadd.s32 @!p0 $0x88, s6;
	s7 =	simm.s32 @p2 $0x1082  }
0x22: {  	[simem:s7], [sflag:s8] =	dma.local @!p0 [hbm:s6], $0xF7A  }
0x23: {  	s9 =	sor.u32 $0xD0000000, s2;
	s6 =	simm.s32 $0x108;
	_ =	swait.ge @!p0 [sflag:s8], $0x0  }
0x24: {  	s3 =	sadd.s32 $0x88, s3;
	s6 =	simm.s32 @!p1 $0x1082;
	[sflag:s4] =	ssyncset.s32 $0xFFFFF086  }
0x25: {  	[simem:s6], [sflag:s4] =	dma.local [hbm:s3], $0xF7A  }
0x26: {  	[smem:$0x3F9F] =	sst s1;
	(tag) =	ssettag s2;
	_ =	strace s9  }
0x27: {  	s1 =	sld [smem:$0x3FAF]  }
0x28: {  	s2 =	sld [smem:$0x3FB0]  }
0x29: {  	s4 =	sld [smem:$0x3FB2]  }
0x2a: {  	p0 =	seq.s32 s5, $0x0;
	s5 =	sld [smem:$0x3FB3]  }
0x2b: {  	s6 =	sld [smem:$0x3FB4]  }
0x2c: {  	s7 =	sld [smem:$0x3FB5]  }
0x2d: {  	s3 =	simm.s32 $0x108;
	s8 =	sld [smem:$0x3FB6]  }
0x2e: {  	s3 =	simm.s32 @!p0 $0x1082;
	s9 =	sld [smem:$0x3FB7]  }
0x2f: {  	lr =	sadd.s32 s0, s3;
	s0 =	sld [smem:$0x3FAE]  }
0x30: {  	s3 =	sld [smem:$0x3FB1]  }
0x31: {  	[smem:$0x3FBA] =	sst s10  }
0x32: {  	s10 =	sld [smem:$0x3FB8];
	_ =	sdelay $0x3  }
0x33: {  	p0 =	seq.s32 s10, $0x1;
	s10 =	sld [smem:$0x3FBA];
	_ =	sdelay $0x3  }
0x34: {  	[smem:$0x3FBA] =	sst s10  }
0x35: {  	s10 =	sld [smem:$0x3FB9];
	_ =	sdelay $0x3  }
0x36: {  	p1 =	seq.s32 s10, $0x1;
	s10 =	sld [smem:$0x3FBA];
	_ =	sdelay $0x3  }
0x37: {  	[smem:$0x3FBA] =	sst s10  }
0x38: {  	s10 =	sld [smem:$0x3FBB]  }
0x39: {  	_ = 	snop;
	(pc) =	sbr.ind lr, $3  }
0x3a: {  	_ = 	snop  }
0x3b: {  	_ = 	snop  }
0x3c: {  	p2 =	seq.s32 s10, $0x1;
	s10 =	sld [smem:$0x3FBA]  }
0x3d: {  	_ =	shalt  }
0x3e: {  	_ =	shalt  }
0x3f: {  	_ =	shalt  }
0x40: {  	_ =	shalt  }
0x41: {  	_ =	shalt  }
0x42: {  	_ =	shalt  }
0x43: {  	_ =	shalt  }
0x44: {  	_ =	shalt  }
0x45: {  	_ =	shalt  }
0x46: {  	_ =	shalt  }
0x47: {  	_ =	shalt  }
0x48: {  	_ =	shalt  }
0x49: {  	_ =	shalt  }
0x4a: {  	_ =	shalt  }
0x4b: {  	_ =	shalt  }
0x4c: {  	_ =	shalt  }
0x4d: {  	_ =	shalt  }
0x4e: {  	_ =	shalt  }
0x4f: {  	_ =	shalt  }
0x50: {  	_ =	shalt  }
0x51: {  	_ =	shalt  }
0x52: {  	_ =	shalt  }
0x53: {  	_ =	shalt  }
0x54: {  	_ =	shalt  }
0x55: {  	_ =	shalt  }
0x56: {  	_ =	shalt  }
0x57: {  	_ =	shalt  }
0x58: {  	_ =	shalt  }
0x59: {  	_ =	shalt  }
0x5a: {  	_ =	shalt  }
0x5b: {  	_ =	shalt  }
0x5c: {  	_ =	shalt  }
0x5d: {  	_ =	shalt  }
0x5e: {  	_ =	shalt  }
0x5f: {  	_ =	shalt  }
0x60: {  	_ =	shalt  }
0x61: {  	_ =	shalt  }
0x62: {  	_ =	shalt  }
0x63: {  	_ =	shalt  }
0x64: {  	_ =	shalt  }
0x65: {  	_ =	shalt  }
0x66: {  	_ =	shalt  }
0x67: {  	_ =	shalt  }
0x68: {  	_ =	shalt  }
0x69: {  	_ =	shalt  }
0x6a: {  	_ =	shalt  }
0x6b: {  	_ =	shalt  }
0x6c: {  	_ =	shalt  }
0x6d: {  	_ =	shalt  }
0x6e: {  	_ =	shalt  }
0x6f: {  	_ =	shalt  }
0x70: {  	_ =	shalt  }
0x71: {  	_ =	shalt  }
0x72: {  	_ =	shalt  }
0x73: {  	_ =	shalt  }
0x74: {  	_ =	shalt  }
0x75: {  	_ =	shalt  }
0x76: {  	_ =	shalt  }
0x77: {  	_ =	shalt  }
0x78: {  	_ =	shalt  }
0x79: {  	_ =	shalt  }
0x7a: {  	_ =	shalt  }
0x7b: {  	_ =	shalt  }
0x7c: {  	_ =	shalt  }
0x7d: {  	_ =	shalt  }
0x7e: {  	_ =	shalt  }
0x7f: {  	_ =	shalt  }
0x80: {  	_ =	shalt  }
0x81: {  	_ =	shalt  }
0x82: {  	_ =	shalt  }
0x83: {  	_ =	shalt  }
0x84: {  	_ =	shalt  }
0x85: {  	_ =	shalt  }
0x86: {  	_ =	shalt  }
0x87: {  	_ =	shalt  }
.Lfunc_end0:
.L_simem_size_0:
called_computation_lowered:
.L_overlay_start_0:
0x88: {  	s2 =	sld [smem:$0x3FD9]  }
0x89: {  	s3 =	sld [smem:$0x3FFE];
	_ =	sdelay $0x1  }
0x8a: {  	s1 =	srdreg.scid  }
0x8b: {  	s0 =	sand.u32 $0x1, s1  }
0x8c: {  	s17 =	sshll.u32 s0, $0xA;
	s2 =	sadd.s32 s3, s2  }
0x8d: {  	s2 =	sadd.s32 s2, s17  }
0x8e: {  	[smem:$0x3FC6] =	sst s2  }
0x8f: {  	_ = 	snop  }
0x90: {  	s2 =	sld [smem:$0x3FC9];
	(tm) =	ssettm $0x1  }
0x91: {  	s18 =	sld [smem:$0x3FFB];
	_ =	sdelay $0x3  }
0x92: {  	_ =	strace s18  }
0x93: {  	s3 =	sld [smem:$0x3FFC];
	_ =	sdelay $0x3  }
0x94: {  	_ =	strace s3  }
0x95: {  	s3 =	sld [smem:$0x3FFD];
	_ =	sdelay $0x3  }
0x96: {  	_ =	strace s3  }
0x97: {  	_ =	strace $0x8FFFFFFF  }
0x98: {  	s19 =	sld [smem:$0x3FDB];
	_ =	sdelay $0x1  }
0x99: {  	s4 =	simm.s32 $_scs_section_size  }
0x9a: {  	s5 =	simm.s32 $_size__tile_overlayer_lowered;
	s6 =	simm.s32 $_tile_overlayer_lowered  }
0x9b: {  	s22 =	simm.s32 $0x1BFF;
	s21 =	sshll.u32 s6, $0x1;
	s3 =	sadd.s32 s4, s19  }
0x9c: {  	s7 =	simm.s32 $0x0;
	s20 =	sshll.u32 s5, $0x1;
	s5 =	sadd.s32 s21, s3  }
0x9d: {  	[timem:s7], [sflag:s22] =	dma.local [hbm:s5], s20  }
0x9e: {  	_ =	swait.ge [sflag:s22], s20  }
0x9f: {  	s4 =	ssub.s32 $0x0, s20;
	[sflag:s22] =	ssyncset.done $0x0  }
0xa0: {  	[sflag:s22] =	ssyncadd.s32 s4;
	_ =	sdelay $0x1  }
0xa1: {  	s23 =	simm.s32 $0x1B8B  }
0xa2: {  	_ =	swait.ge [sflag:s23], $0x1  }
0xa3: {  	[sflag:s23] =	ssyncset.done $0x0  }
0xa4: {  	s25 =	simm.s32 $0x1B8E;
	s24 =	sld [smem:$0x3FFE];
	[sflag:s23] =	ssyncadd.s32 $0xFFFFFFFF  }
0xa5: {  	s26 =	simm.s32 $execute0_lowered;
	[smem:$0x3FD2] =	sst s25  }
0xa6: {  	s5 =	sshll.u32 s26, $0x1;
	_ =	strace $0x80000046;
	[dreg:$0x1] =	wrdreg $0xFFFFFFFF  }
0xa7: {  	s28 =	simm.s32 $_size_execute0_lowered;
	s3 =	sadd.s32 s3, s5;
	[dreg:$0x0] =	wrdreg $0x0  }
0xa8: {  	s5 =	sshll.u32 s28, $0x1;
	[dreg:$0x2] =	wrdreg s3  }
0xa9: {  	[dreg:$0x3] =	wrdreg s5  }
0xaa: {  	[dreg:$0x4] =	wrdreg $0xC0  }
0xab: {  	_ =	task [dreg:s7], $0x5FFFF  }
0xac: {  	[dreg:$0x1] =	wrdreg $0xFFFFFFFF  }
0xad: {  	[dreg:$0x0] =	wrdreg $0x60  }
0xae: {  	[dreg:$0x2] =	wrdreg s2  }
0xaf: {  	[dreg:$0x3] =	wrdreg s24  }
0xb0: {  	[dreg:$0x4] =	wrdreg $0x9  }
0xb1: {  	_ =	task.clear_ibuf [dreg:s7], $0x5FFFF;
	_ =	strace $0x90000046  }
0xb2: {  	s29 =	simm.s32 $0x9;
	_ =	strace $0x80000048  }
0xb3: {  	_ =	swait.ge [sflag:s29], $0x1  }
0xb4: {  	[sflag:s29] =	ssyncadd.s32 $0xFFFFFFFF  }
0xb5: {  	_ =	strace $0x90000048  }
0xb6: {  	_ =	sfence  }
0xb7: {  	s30 =	sld [smem:$0x0];
	_ =	sdelay $0x2  }
0xb8: {  	s31 =	sshll.u32 s1, $0xD;
	s1 =	sshrl.u32 s1, $0x2  }
0xb9: {  	s3 =	sand.u32 $0x4000, s31;
	s1 =	sadd.s32 s1, s30  }
0xba: {  	s0 =	sor.u32 s3, s0;
	s1 =	sshll.u32 s1, $0x11  }
0xbb: {  	s0 =	sor.u32 s1, s0  }
0xbc: {  	s0 =	sadd.s32 $0x8F2B, s0  }
0xbd: {  	[sflag:s0] =	ssyncadd.remote.s32 $0x1  }
0xbe: {  	_ =	sfence.sel $0xFFFF  }
0xbf: {  	[dreg:$0x0] =	wrdreg $0xFFFFFFFF;
	(pc) =	sbr.abs _section_cstart, $3  }
0xc0: {  	[dreg:$0x1] =	wrdreg $0xFFFFFFFF  }
0xc1: {  	_ =	task.clear_ibuf [dreg:s7], $0x2FFFF;
	_ =	strace $0x9FFFFFFF  }
0xc2: {  	(tm) =	ssettm $0x7FFFFFFF  }
0xc3: {  	_ =	shalt  }
tec
execute0_lowered:
.L_overlay_start_1:
0x0: {  	(tag) =	ssettag $0x1  }
0x1: {  	s2 =	rddreg [dreg:$0x0];
	s0 =	stileid.u32  }
0x2: {  	s1 =	srdreg.scid;
	s4 =	rddreg [dreg:$0x1]  }
0x3: {  	s3 =	simm.s32 $0x0;
	s10 =	simm.s32 $0x1;
	s11 =	simm.s32 $0x2000  }
0x4: {  	s12 =	simm.s32 $0x2;
	s13 =	simm.s32 $0x3;
	s14 =	simm.s32 $0x0  }
0x5: {  	s6 =	smul.u32 $0xF428, s0;
	s5 =	sand.u32 $0x1, s1;
	s1 =	rddreg [dreg:$0x2]  }
.Ltmp0:
0x6: {  	[smem:$0x7FF] =	sst s3;
	s5 =	ssub.s32 $0x2, s5;
	(pc) =	sbr.rel .LBB2_1-.Ltmp0, $4  }
0x7: {  	_ =	strace $0x80000047;
	s7 =	sshrl.u32 s6, $0x3;
	s8 =	sshrl.u32 s5, $0x1  }
0x8: {  	s9 =	sadd.s32 $0xF428, s6;
	v0 =	vmov s6;
	s6 =	sadd.s32 $0x600, s2;
	s7 =	sadd.s32 s7, s4  }
0x9: {  	vm0 =	vmxor vm0, vm0;
	v2 =	vlaneseq.u32;
	v3 =	vimm.s32 $0x0;
	s8 =	ssub.s32 s5, s8;
	s4 =	sadd.s32 $0x200, s2;
	s5 =	sadd.s32 $0x400, s2  }
0xa: {  	vm1 =	vcmask $0x3F3C;
	v4 =	vor.u32 $0x80000000, v2;
	v1 =	vmov s9;
	s9 =	simm.s32 $0x1000;
	s7 =	sadd.s32 $0x1600, s7;
	s8 =	smax.u32 s8, $0x1  }
.LBB2_24:
0xb: {  	vm2 =	vge.s32 v5, v0;
	vm3 =	vlt.s32 v5, v1;
	v5 =	vshll.u32 v5, $0x4  }
0xc: {  	vm2 =	vmand vm2, vm3;
	v5 =	vxor.u32 v4, v5  }
0xd: {  	v6 =	vor.u32 s15, v2;
	v5 =	vnsel vm2, $0xFFFFFFFF, v5  }
0xe: {  	(xrf1) =	vsort.ascd.msk.u32 $0xffff, v5, v6;
	_ =	sdelay $0xd  }
0xf: {  	v5, v6, _ =	vpop (xrf1)  }
0x10: {  	v7 =	vshra.s32 v5, $0x4  }
0x11: {  	v7 =	vxor.u32 $0xF8000000, v7  }
0x12: {  	[tilespmem:$0x11480] =	vst v7  }
0x13: {  	v8 =	vld [tilespmem:$0x11481];
	_ =	sdelay $0x4  }
0x14: {  	vm2 =	vne.s32 v7, v8  }
0x15: {  	vm3 =	vne.s32 v5, $0xFFFFFFFF;
	vm2 =	vmor vm2, vm1  }
0x16: {  	v5 =	vsub.s32 v7, v0;
	vm2 =	vmand vm3, vm2  }
0x17: {  	v5 =	vnsel vm2, $0x0, v5;
	_ =	sdelay $0x4  }
0x18: {  	[tilespmem:v5+s11+$0x0] =	vst.idx.msk vm2, v6  }
.LBB2_25:
0x19: {  	s14 =	sadd.s32 $0x1, s14  }
0x1a: {  	p0 =	sne.s32 s14, s8  }
.Ltmp1:
0x1b: {  	_ = 	snop;
	(pc) =	sbr.rel @!p0 .LBB2_26-.Ltmp1, $4  }
0x1c: {  	[hbm4b:s7+s3] =	stream.linear.scatter [tilespmem:s11], [sflag:$0x3], $0xF428, $0x38;
	[tilespmem:$0x11500] =	vst v63  }
0x1d: {  	_ =	swait.ge [sflag:s13], $0xF428  }
0x1e: {  	[sflag:s13] =	ssyncset.done $0x0  }
0x1f: {  	[sflag:s13] =	ssyncadd.s32 $0xFFFF0BD8  }
.LBB2_1:
0x20: {  	[tilespmem:s3], [sflag:$0x1] =	stream.linear.gather [hbm4b:s2+s3], $0x1000, $0x38;
	[tilespmem:$0x11500] =	vst v63  }
0x21: {  	_ = 	snop  }
0x22: {  	[tilespmem:s9], [sflag:$0x2] =	stream.linear.gather [hbm4b:s4+s3], $0x1000, $0x38;
	[tilespmem:$0x11500] =	vst v63  }
0x23: {  	_ =	swait.ge [sflag:s10], $0x1000  }
0x24: {  	[sflag:s10] =	ssyncset.done $0x0  }
0x25: {  	s15 =	simm.s32 $0x20;
	s16 =	simm.s32 $0x0;
	vm2 =	vmmov vm0;
	[sflag:s10] =	ssyncadd.s32 $0xFFFFF000  }
.LBB2_2:
0x26: {  	v5 =	vld [tilespmem:s15+$0xFFFFFFE0];
	_ =	sdelay $0x4  }
0x27: {  	vm3 =	vge.s32 v5, v0;
	vm4 =	vlt.s32 v5, v1  }
0x28: {  	v5 =	vsub.s32 v5, v0;
	vm3 =	vmand vm3, vm4  }
0x29: {  	v5 =	vnsel vm3, $0x0, v5;
	_ =	sdelay $0x3  }
0x2a: {  	v6 =	vor.u32 s16, v2  }
0x2b: {  	[tilespmem:v5+s11+$0x0] =	vst.idx.msk vm3, v6  }
0x2c: {  	v7 =	vld [tilespmem:s15+$0xFFFFFFF0];
	_ =	sdelay $0x4  }
0x2d: {  	vm12 =	vge.s32 v7, v0;
	vm5 =	vlt.s32 v7, v1  }
0x2e: {  	v7 =	vsub.s32 v7, v0;
	vm4 =	vmand vm12, vm5  }
0x2f: {  	v7 =	vnsel vm4, $0x0, v7;
	_ =	sdelay $0x2  }
0x30: {  	s17 =	sadd.s32 $0x10, s16  }
0x31: {  	v8 =	vor.u32 s17, v2  }
0x32: {  	v5 =	vld.idx.msk [tilespmem:v5+s11+$0x0], vm3;
	[tilespmem:v7+s11+$0x0] =	vst.idx.msk vm4, v8  }
0x33: {  	v9 =	vld [tilespmem:s15+$0x0];
	_ =	sdelay $0x4  }
0x34: {  	vm13 =	vge.s32 v9, v0;
	vm6 =	vlt.s32 v9, v1  }
0x35: {  	v9 =	vsub.s32 v9, v0;
	vm5 =	vmand vm13, vm6  }
0x36: {  	v9 =	vnsel vm5, $0x0, v9;
	_ =	sdelay $0x2  }
0x37: {  	s30 =	sadd.s32 $0x20, s16  }
0x38: {  	v10 =	vor.u32 s30, v2  }
0x39: {  	v7 =	vld.idx.msk [tilespmem:v7+s11+$0x0], vm4;
	[tilespmem:v9+s11+$0x0] =	vst.idx.msk vm5, v10  }
0x3a: {  	v11 =	vld [tilespmem:s15+$0x10];
	_ =	sdelay $0x4  }
0x3b: {  	vm14 =	vge.s32 v11, v0;
	vm7 =	vlt.s32 v11, v1  }
0x3c: {  	v11 =	vsub.s32 v11, v0;
	vm6 =	vmand vm14, vm7  }
0x3d: {  	v11 =	vnsel vm6, $0x0, v11;
	_ =	sdelay $0x2  }
0x3e: {  	s31 =	sadd.s32 $0x30, s16  }
0x3f: {  	v12 =	vor.u32 s31, v2  }
0x40: {  	v9 =	vld.idx.msk [tilespmem:v9+s11+$0x0], vm5;
	[tilespmem:v11+s11+$0x0] =	vst.idx.msk vm6, v12  }
0x41: {  	v11 =	vld.idx.msk [tilespmem:v11+s11+$0x0], vm6;
	_ =	sdelay $0x2  }
0x42: {  	p0 =	sne.s32 s16, $0xFC0;
	vm15 =	vlt.s32 v5, v6;
	vm8 =	vlt.s32 v7, v8  }
.Ltmp2:
0x43: {  	vm3 =	vmand vm3, vm15;
	vm4 =	vmand vm4, vm8;
	vm12 =	vlt.s32 v9, v10;
	(pc) =	sbr.rel @p0 .LBB2_2-.Ltmp2, $4  }
0x44: {  	vm3 =	vmor vm3, vm4;
	vm13 =	vmand vm5, vm12;
	vm14 =	vlt.s32 v11, v12  }
0x45: {  	vm3 =	vmor vm3, vm13;
	vm15 =	vmand vm6, vm14  }
0x46: {  	vm3 =	vmor vm3, vm15  }
0x47: {  	s16 =	sadd.s32 $0x40, s16;
	s15 =	sadd.s32 $0x40, s15;
	vm2 =	vmor vm2, vm3  }
0x48: {  	v5 =	vsel vm2, $0x1, v3  }
0x49: {  	v5 =	vor.u32 $0x80000000, v5  }
0x4a: {  	(xrf0) =	vmax.scan.msk.u32 $0xffff, v5;
	_ =	sdelay $0x5  }
0x4b: {  	v5, _, _ =	vpop (xrf0)  }
0x4c: {  	(v2sf) =	vpush v5, $0xF;
	_ =	sdelay $0xe  }
0x4d: {  	s15 =	spop (v2sf)  }
0x4e: {  	p0 =	slt.u32 s15, $0x80000001  }
.Ltmp3:
0x4f: {  	_ = 	snop;
	(pc) =	sbr.rel @p0 .LBB2_7-.Ltmp3, $2  }
0x50: {  	_ =	sdelay $0x2  }
0x51: {  	s15 =	simm.s32 $0x0  }
0x52: {  	v5 =	vld [tilespmem:s15+$0x0];
	s16 =	simm.s32 $0x10;
	s17 =	simm.s32 $0x0  }
.LBB2_5:
0x53: {  	p0 =	sne.s32 s16, $0xFF0;
	_ =	sdelay $0x3  }
0x54: {  	vm2 =	vge.s32 v5, v0;
	vm3 =	vlt.s32 v5, v1;
	v5 =	vshll.u32 v5, $0x4  }
0x55: {  	vm2 =	vmand vm2, vm3;
	v5 =	vxor.u32 v4, v5  }
0x56: {  	v6 =	vor.u32 s15, v2;
	s15 =	smov.u32 s16;
	v5 =	vnsel vm2, $0xFFFFFFFF, v5  }
0x57: {  	(xrf1) =	vsort.ascd.msk.u32 $0xffff, v5, v6;
	_ =	sdelay $0xd  }
0x58: {  	v5, v6, _ =	vpop (xrf1)  }
0x59: {  	v7 =	vshra.s32 v5, $0x4  }
0x5a: {  	v7 =	vxor.u32 $0xF8000000, v7  }
0x5b: {  	[tilespmem:$0x11480] =	vst v7  }
0x5c: {  	v8 =	vld [tilespmem:$0x11481];
	_ =	sdelay $0x4  }
0x5d: {  	vm2 =	vne.s32 v7, v8  }
0x5e: {  	vm3 =	vne.s32 v5, $0xFFFFFFFF;
	vm2 =	vmor vm2, vm1  }
0x5f: {  	v5 =	vsub.s32 v7, v0;
	vm2 =	vmand vm3, vm2  }
0x60: {  	v5 =	vnsel vm2, $0x0, v5;
	_ =	sdelay $0x1  }
.Ltmp4:
0x61: {  	(pc) =	sbr.rel @p0 .LBB2_5-.Ltmp4, $3  }
0x62: {  	_ =	sdelay $0x1  }
0x63: {  	s17 =	sadd.s32 $0x10, s17;
	[tilespmem:v5+s11+$0x0] =	vst.idx.msk vm2, v6  }
0x64: {  	s16 =	sadd.s32 $0x10, s16;
	v5 =	vld [tilespmem:s17+$0x0]  }
0x65: {  	_ =	sdelay $0x3  }
0x66: {  	vm2 =	vge.s32 v5, v0;
	vm3 =	vlt.s32 v5, v1;
	v5 =	vshll.u32 v5, $0x4  }
0x67: {  	vm2 =	vmand vm2, vm3;
	v5 =	vxor.u32 v4, v5  }
0x68: {  	v6 =	vor.u32 s15, v2;
	v5 =	vnsel vm2, $0xFFFFFFFF, v5  }
0x69: {  	(xrf1) =	vsort.ascd.msk.u32 $0xffff, v5, v6;
	_ =	sdelay $0xd  }
0x6a: {  	v5, v6, _ =	vpop (xrf1)  }
0x6b: {  	v7 =	vshra.s32 v5, $0x4  }
0x6c: {  	v7 =	vxor.u32 $0xF8000000, v7  }
0x6d: {  	[tilespmem:$0x11480] =	vst v7  }
0x6e: {  	v8 =	vld [tilespmem:$0x11481];
	_ =	sdelay $0x4  }
0x6f: {  	vm2 =	vne.s32 v7, v8  }
0x70: {  	vm3 =	vne.s32 v5, $0xFFFFFFFF;
	vm2 =	vmor vm2, vm1  }
0x71: {  	v5 =	vsub.s32 v7, v0;
	vm2 =	vmand vm3, vm2  }
0x72: {  	v5 =	vnsel vm2, $0x0, v5;
	_ =	sdelay $0x4  }
0x73: {  	[tilespmem:v5+s11+$0x0] =	vst.idx.msk vm2, v6  }
.LBB2_7:
0x74: {  	[tilespmem:s3], [sflag:$0x1] =	stream.linear.gather [hbm4b:s5+s3], $0x1000, $0x38;
	[tilespmem:$0x11500] =	vst v63  }
0x75: {  	_ =	swait.ge [sflag:s12], $0x1000  }
0x76: {  	[sflag:s12] =	ssyncset.done $0x0  }
0x77: {  	s15 =	simm.s32 $0x1000;
	s16 =	simm.s32 $0x1020;
	vm2 =	vmmov vm0;
	[sflag:s12] =	ssyncadd.s32 $0xFFFFF000  }
.LBB2_8:
0x78: {  	v5 =	vld [tilespmem:s16+$0xFFFFFFE0];
	_ =	sdelay $0x4  }
0x79: {  	vm3 =	vge.s32 v5, v0;
	vm4 =	vlt.s32 v5, v1  }
0x7a: {  	v5 =	vsub.s32 v5, v0;
	vm3 =	vmand vm3, vm4  }
0x7b: {  	v5 =	vnsel vm3, $0x0, v5;
	_ =	sdelay $0x3  }
0x7c: {  	v6 =	vor.u32 s15, v2  }
0x7d: {  	[tilespmem:v5+s11+$0x0] =	vst.idx.msk vm3, v6  }
0x7e: {  	v7 =	vld [tilespmem:s16+$0xFFFFFFF0];
	_ =	sdelay $0x4  }
0x7f: {  	vm12 =	vge.s32 v7, v0;
	vm5 =	vlt.s32 v7, v1  }
0x80: {  	v7 =	vsub.s32 v7, v0;
	vm4 =	vmand vm12, vm5  }
0x81: {  	v7 =	vnsel vm4, $0x0, v7;
	_ =	sdelay $0x2  }
0x82: {  	s17 =	sadd.s32 $0x10, s15  }
0x83: {  	v8 =	vor.u32 s17, v2  }
0x84: {  	v5 =	vld.idx.msk [tilespmem:v5+s11+$0x0], vm3;
	[tilespmem:v7+s11+$0x0] =	vst.idx.msk vm4, v8  }
0x85: {  	v9 =	vld [tilespmem:s16+$0x0];
	_ =	sdelay $0x4  }
0x86: {  	vm13 =	vge.s32 v9, v0;
	vm6 =	vlt.s32 v9, v1  }
0x87: {  	v9 =	vsub.s32 v9, v0;
	vm5 =	vmand vm13, vm6  }
0x88: {  	v9 =	vnsel vm5, $0x0, v9;
	_ =	sdelay $0x2  }
0x89: {  	s30 =	sadd.s32 $0x20, s15  }
0x8a: {  	v10 =	vor.u32 s30, v2  }
0x8b: {  	v7 =	vld.idx.msk [tilespmem:v7+s11+$0x0], vm4;
	[tilespmem:v9+s11+$0x0] =	vst.idx.msk vm5, v10  }
0x8c: {  	v11 =	vld [tilespmem:s16+$0x10];
	_ =	sdelay $0x4  }
0x8d: {  	vm14 =	vge.s32 v11, v0;
	vm7 =	vlt.s32 v11, v1  }
0x8e: {  	v11 =	vsub.s32 v11, v0;
	vm6 =	vmand vm14, vm7  }
0x8f: {  	v11 =	vnsel vm6, $0x0, v11;
	_ =	sdelay $0x2  }
0x90: {  	s31 =	sadd.s32 $0x30, s15  }
0x91: {  	v12 =	vor.u32 s31, v2  }
0x92: {  	v9 =	vld.idx.msk [tilespmem:v9+s11+$0x0], vm5;
	[tilespmem:v11+s11+$0x0] =	vst.idx.msk vm6, v12  }
0x93: {  	v11 =	vld.idx.msk [tilespmem:v11+s11+$0x0], vm6;
	_ =	sdelay $0x2  }
0x94: {  	p0 =	sne.s32 s15, $0x1FC0;
	vm15 =	vlt.s32 v5, v6;
	vm8 =	vlt.s32 v7, v8  }
.Ltmp5:
0x95: {  	vm3 =	vmand vm3, vm15;
	vm4 =	vmand vm4, vm8;
	vm12 =	vlt.s32 v9, v10;
	(pc) =	sbr.rel @p0 .LBB2_8-.Ltmp5, $4  }
0x96: {  	vm3 =	vmor vm3, vm4;
	vm13 =	vmand vm5, vm12;
	vm14 =	vlt.s32 v11, v12  }
0x97: {  	vm3 =	vmor vm3, vm13;
	vm15 =	vmand vm6, vm14  }
0x98: {  	vm3 =	vmor vm3, vm15  }
0x99: {  	s15 =	sadd.s32 $0x40, s15;
	s16 =	sadd.s32 $0x40, s16;
	vm2 =	vmor vm2, vm3  }
0x9a: {  	v5 =	vsel vm2, $0x1, v3  }
0x9b: {  	v5 =	vor.u32 $0x80000000, v5  }
0x9c: {  	(xrf0) =	vmax.scan.msk.u32 $0xffff, v5;
	_ =	sdelay $0x5  }
0x9d: {  	v5, _, _ =	vpop (xrf0)  }
0x9e: {  	(v2sf) =	vpush v5, $0xF;
	_ =	sdelay $0xe  }
0x9f: {  	s15 =	spop (v2sf)  }
0xa0: {  	p0 =	slt.u32 s15, $0x80000001  }
.Ltmp6:
0xa1: {  	_ = 	snop;
	(pc) =	sbr.rel @p0 .LBB2_13-.Ltmp6, $2  }
0xa2: {  	_ =	sdelay $0x2  }
0xa3: {  	s15 =	simm.s32 $0x1000  }
0xa4: {  	v5 =	vld [tilespmem:s15+$0x0];
	s16 =	simm.s32 $0x1010;
	s17 =	simm.s32 $0x1000  }
.LBB2_11:
0xa5: {  	p0 =	sne.s32 s16, $0x1FF0;
	_ =	sdelay $0x3  }
0xa6: {  	vm2 =	vge.s32 v5, v0;
	vm3 =	vlt.s32 v5, v1;
	v5 =	vshll.u32 v5, $0x4  }
0xa7: {  	vm2 =	vmand vm2, vm3;
	v5 =	vxor.u32 v4, v5  }
0xa8: {  	v6 =	vor.u32 s15, v2;
	s15 =	smov.u32 s16;
	v5 =	vnsel vm2, $0xFFFFFFFF, v5  }
0xa9: {  	(xrf1) =	vsort.ascd.msk.u32 $0xffff, v5, v6;
	_ =	sdelay $0xd  }
0xaa: {  	v5, v6, _ =	vpop (xrf1)  }
0xab: {  	v7 =	vshra.s32 v5, $0x4  }
0xac: {  	v7 =	vxor.u32 $0xF8000000, v7  }
0xad: {  	[tilespmem:$0x11480] =	vst v7  }
0xae: {  	v8 =	vld [tilespmem:$0x11481];
	_ =	sdelay $0x4  }
0xaf: {  	vm2 =	vne.s32 v7, v8  }
0xb0: {  	vm3 =	vne.s32 v5, $0xFFFFFFFF;
	vm2 =	vmor vm2, vm1  }
0xb1: {  	v5 =	vsub.s32 v7, v0;
	vm2 =	vmand vm3, vm2  }
0xb2: {  	v5 =	vnsel vm2, $0x0, v5;
	_ =	sdelay $0x1  }
.Ltmp7:
0xb3: {  	(pc) =	sbr.rel @p0 .LBB2_11-.Ltmp7, $3  }
0xb4: {  	_ =	sdelay $0x1  }
0xb5: {  	s17 =	sadd.s32 $0x10, s17;
	[tilespmem:v5+s11+$0x0] =	vst.idx.msk vm2, v6  }
0xb6: {  	s16 =	sadd.s32 $0x10, s16;
	v5 =	vld [tilespmem:s17+$0x0]  }
0xb7: {  	_ =	sdelay $0x3  }
0xb8: {  	vm2 =	vge.s32 v5, v0;
	vm3 =	vlt.s32 v5, v1;
	v5 =	vshll.u32 v5, $0x4  }
0xb9: {  	vm2 =	vmand vm2, vm3;
	v5 =	vxor.u32 v4, v5  }
0xba: {  	v6 =	vor.u32 s15, v2;
	v5 =	vnsel vm2, $0xFFFFFFFF, v5  }
0xbb: {  	(xrf1) =	vsort.ascd.msk.u32 $0xffff, v5, v6;
	_ =	sdelay $0xd  }
0xbc: {  	v5, v6, _ =	vpop (xrf1)  }
0xbd: {  	v7 =	vshra.s32 v5, $0x4  }
0xbe: {  	v7 =	vxor.u32 $0xF8000000, v7  }
0xbf: {  	[tilespmem:$0x11480] =	vst v7  }
0xc0: {  	v8 =	vld [tilespmem:$0x11481];
	_ =	sdelay $0x4  }
0xc1: {  	vm2 =	vne.s32 v7, v8  }
0xc2: {  	vm3 =	vne.s32 v5, $0xFFFFFFFF;
	vm2 =	vmor vm2, vm1  }
0xc3: {  	v5 =	vsub.s32 v7, v0;
	vm2 =	vmand vm3, vm2  }
0xc4: {  	v5 =	vnsel vm2, $0x0, v5;
	_ =	sdelay $0x4  }
0xc5: {  	[tilespmem:v5+s11+$0x0] =	vst.idx.msk vm2, v6  }
.LBB2_13:
0xc6: {  	[tilespmem:s9], [sflag:$0x2] =	stream.linear.gather [hbm4b:s6+s3], $0x1000, $0x38;
	[tilespmem:$0x11500] =	vst v63  }
0xc7: {  	_ =	swait.ge [sflag:s10], $0x1000  }
0xc8: {  	[sflag:s10] =	ssyncset.done $0x0  }
0xc9: {  	s15 =	simm.s32 $0x2000;
	s16 =	simm.s32 $0x20;
	vm2 =	vmmov vm0;
	[sflag:s10] =	ssyncadd.s32 $0xFFFFF000  }
.LBB2_14:
0xca: {  	v5 =	vld [tilespmem:s16+$0xFFFFFFE0];
	_ =	sdelay $0x4  }
0xcb: {  	vm3 =	vge.s32 v5, v0;
	vm4 =	vlt.s32 v5, v1  }
0xcc: {  	v5 =	vsub.s32 v5, v0;
	vm3 =	vmand vm3, vm4  }
0xcd: {  	v5 =	vnsel vm3, $0x0, v5;
	_ =	sdelay $0x3  }
0xce: {  	v6 =	vor.u32 s15, v2  }
0xcf: {  	[tilespmem:v5+s11+$0x0] =	vst.idx.msk vm3, v6  }
0xd0: {  	v7 =	vld [tilespmem:s16+$0xFFFFFFF0];
	_ =	sdelay $0x4  }
0xd1: {  	vm12 =	vge.s32 v7, v0;
	vm5 =	vlt.s32 v7, v1  }
0xd2: {  	v7 =	vsub.s32 v7, v0;
	vm4 =	vmand vm12, vm5  }
0xd3: {  	v7 =	vnsel vm4, $0x0, v7;
	_ =	sdelay $0x2  }
0xd4: {  	s17 =	sadd.s32 $0x10, s15  }
0xd5: {  	v8 =	vor.u32 s17, v2  }
0xd6: {  	v5 =	vld.idx.msk [tilespmem:v5+s11+$0x0], vm3;
	[tilespmem:v7+s11+$0x0] =	vst.idx.msk vm4, v8  }
0xd7: {  	v9 =	vld [tilespmem:s16+$0x0];
	_ =	sdelay $0x4  }
0xd8: {  	vm13 =	vge.s32 v9, v0;
	vm6 =	vlt.s32 v9, v1  }
0xd9: {  	v9 =	vsub.s32 v9, v0;
	vm5 =	vmand vm13, vm6  }
0xda: {  	v9 =	vnsel vm5, $0x0, v9;
	_ =	sdelay $0x2  }
0xdb: {  	s30 =	sadd.s32 $0x20, s15  }
0xdc: {  	v10 =	vor.u32 s30, v2  }
0xdd: {  	v7 =	vld.idx.msk [tilespmem:v7+s11+$0x0], vm4;
	[tilespmem:v9+s11+$0x0] =	vst.idx.msk vm5, v10  }
0xde: {  	v11 =	vld [tilespmem:s16+$0x10];
	_ =	sdelay $0x4  }
0xdf: {  	vm14 =	vge.s32 v11, v0;
	vm7 =	vlt.s32 v11, v1  }
0xe0: {  	v11 =	vsub.s32 v11, v0;
	vm6 =	vmand vm14, vm7  }
0xe1: {  	v11 =	vnsel vm6, $0x0, v11;
	_ =	sdelay $0x2  }
0xe2: {  	s31 =	sadd.s32 $0x30, s15  }
0xe3: {  	v12 =	vor.u32 s31, v2  }
0xe4: {  	v9 =	vld.idx.msk [tilespmem:v9+s11+$0x0], vm5;
	[tilespmem:v11+s11+$0x0] =	vst.idx.msk vm6, v12  }
0xe5: {  	v11 =	vld.idx.msk [tilespmem:v11+s11+$0x0], vm6;
	_ =	sdelay $0x2  }
0xe6: {  	p0 =	sne.s32 s15, $0x2FC0;
	vm15 =	vlt.s32 v5, v6;
	vm8 =	vlt.s32 v7, v8  }
.Ltmp8:
0xe7: {  	vm3 =	vmand vm3, vm15;
	vm4 =	vmand vm4, vm8;
	vm12 =	vlt.s32 v9, v10;
	(pc) =	sbr.rel @p0 .LBB2_14-.Ltmp8, $4  }
0xe8: {  	vm3 =	vmor vm3, vm4;
	vm13 =	vmand vm5, vm12;
	vm14 =	vlt.s32 v11, v12  }
0xe9: {  	vm3 =	vmor vm3, vm13;
	vm15 =	vmand vm6, vm14  }
0xea: {  	vm3 =	vmor vm3, vm15  }
0xeb: {  	s15 =	sadd.s32 $0x40, s15;
	s16 =	sadd.s32 $0x40, s16;
	vm2 =	vmor vm2, vm3  }
0xec: {  	v5 =	vsel vm2, $0x1, v3  }
0xed: {  	v5 =	vor.u32 $0x80000000, v5  }
0xee: {  	(xrf0) =	vmax.scan.msk.u32 $0xffff, v5;
	_ =	sdelay $0x5  }
0xef: {  	v5, _, _ =	vpop (xrf0)  }
0xf0: {  	(v2sf) =	vpush v5, $0xF;
	_ =	sdelay $0xe  }
0xf1: {  	s15 =	spop (v2sf)  }
0xf2: {  	p0 =	slt.u32 s15, $0x80000001  }
.Ltmp9:
0xf3: {  	_ = 	snop;
	(pc) =	sbr.rel @p0 .LBB2_19-.Ltmp9, $1  }
0xf4: {  	_ =	sdelay $0x3  }
0xf5: {  	s16 =	simm.s32 $0x0  }
0xf6: {  	s15 =	simm.s32 $0x2000;
	s17 =	simm.s32 $0x2010;
	v5 =	vld [tilespmem:s16+$0x0]  }
.LBB2_17:
0xf7: {  	p0 =	sne.s32 s17, $0x2FF0;
	_ =	sdelay $0x3  }
0xf8: {  	vm2 =	vge.s32 v5, v0;
	vm3 =	vlt.s32 v5, v1;
	v5 =	vshll.u32 v5, $0x4  }
0xf9: {  	vm2 =	vmand vm2, vm3;
	v5 =	vxor.u32 v4, v5  }
0xfa: {  	v6 =	vor.u32 s15, v2;
	s15 =	smov.u32 s17;
	v5 =	vnsel vm2, $0xFFFFFFFF, v5  }
0xfb: {  	(xrf1) =	vsort.ascd.msk.u32 $0xffff, v5, v6;
	_ =	sdelay $0xd  }
0xfc: {  	v5, v6, _ =	vpop (xrf1)  }
0xfd: {  	v7 =	vshra.s32 v5, $0x4  }
0xfe: {  	v7 =	vxor.u32 $0xF8000000, v7  }
0xff: {  	[tilespmem:$0x11480] =	vst v7  }
0x100: {  	v8 =	vld [tilespmem:$0x11481];
	_ =	sdelay $0x4  }
0x101: {  	vm2 =	vne.s32 v7, v8  }
0x102: {  	vm3 =	vne.s32 v5, $0xFFFFFFFF;
	vm2 =	vmor vm2, vm1  }
0x103: {  	v5 =	vsub.s32 v7, v0;
	vm2 =	vmand vm3, vm2  }
0x104: {  	v5 =	vnsel vm2, $0x0, v5;
	_ =	sdelay $0x1  }
.Ltmp10:
0x105: {  	(pc) =	sbr.rel @p0 .LBB2_17-.Ltmp10, $3  }
0x106: {  	_ =	sdelay $0x1  }
0x107: {  	s16 =	sadd.s32 $0x10, s16;
	[tilespmem:v5+s11+$0x0] =	vst.idx.msk vm2, v6  }
0x108: {  	s17 =	sadd.s32 $0x10, s17;
	v5 =	vld [tilespmem:s16+$0x0]  }
0x109: {  	_ =	sdelay $0x3  }
0x10a: {  	vm2 =	vge.s32 v5, v0;
	vm3 =	vlt.s32 v5, v1;
	v5 =	vshll.u32 v5, $0x4  }
0x10b: {  	vm2 =	vmand vm2, vm3;
	v5 =	vxor.u32 v4, v5  }
0x10c: {  	v6 =	vor.u32 s15, v2;
	v5 =	vnsel vm2, $0xFFFFFFFF, v5  }
0x10d: {  	(xrf1) =	vsort.ascd.msk.u32 $0xffff, v5, v6;
	_ =	sdelay $0xd  }
0x10e: {  	v5, v6, _ =	vpop (xrf1)  }
0x10f: {  	v7 =	vshra.s32 v5, $0x4  }
0x110: {  	v7 =	vxor.u32 $0xF8000000, v7  }
0x111: {  	[tilespmem:$0x11480] =	vst v7  }
0x112: {  	v8 =	vld [tilespmem:$0x11481];
	_ =	sdelay $0x4  }
0x113: {  	vm2 =	vne.s32 v7, v8  }
0x114: {  	vm3 =	vne.s32 v5, $0xFFFFFFFF;
	vm2 =	vmor vm2, vm1  }
0x115: {  	v5 =	vsub.s32 v7, v0;
	vm2 =	vmand vm3, vm2  }
0x116: {  	v5 =	vnsel vm2, $0x0, v5;
	_ =	sdelay $0x4  }
0x117: {  	[tilespmem:v5+s11+$0x0] =	vst.idx.msk vm2, v6  }
.LBB2_19:
0x118: {  	_ =	swait.ge [sflag:s12], $0x1000  }
0x119: {  	[sflag:s12] =	ssyncset.done $0x0  }
0x11a: {  	s15 =	simm.s32 $0x3000;
	s16 =	simm.s32 $0x1020;
	vm2 =	vmmov vm0;
	[sflag:s12] =	ssyncadd.s32 $0xFFFFF000  }
.LBB2_20:
0x11b: {  	v5 =	vld [tilespmem:s16+$0xFFFFFFE0];
	_ =	sdelay $0x4  }
0x11c: {  	vm3 =	vge.s32 v5, v0;
	vm4 =	vlt.s32 v5, v1  }
0x11d: {  	v5 =	vsub.s32 v5, v0;
	vm3 =	vmand vm3, vm4  }
0x11e: {  	v5 =	vnsel vm3, $0x0, v5;
	_ =	sdelay $0x3  }
0x11f: {  	v6 =	vor.u32 s15, v2  }
0x120: {  	[tilespmem:v5+s11+$0x0] =	vst.idx.msk vm3, v6  }
0x121: {  	v7 =	vld [tilespmem:s16+$0xFFFFFFF0];
	_ =	sdelay $0x4  }
0x122: {  	vm12 =	vge.s32 v7, v0;
	vm5 =	vlt.s32 v7, v1  }
0x123: {  	v7 =	vsub.s32 v7, v0;
	vm4 =	vmand vm12, vm5  }
0x124: {  	v7 =	vnsel vm4, $0x0, v7;
	_ =	sdelay $0x2  }
0x125: {  	s17 =	sadd.s32 $0x10, s15  }
0x126: {  	v8 =	vor.u32 s17, v2  }
0x127: {  	v5 =	vld.idx.msk [tilespmem:v5+s11+$0x0], vm3;
	[tilespmem:v7+s11+$0x0] =	vst.idx.msk vm4, v8  }
0x128: {  	v9 =	vld [tilespmem:s16+$0x0];
	_ =	sdelay $0x4  }
0x129: {  	vm13 =	vge.s32 v9, v0;
	vm6 =	vlt.s32 v9, v1  }
0x12a: {  	v9 =	vsub.s32 v9, v0;
	vm5 =	vmand vm13, vm6  }
0x12b: {  	v9 =	vnsel vm5, $0x0, v9;
	_ =	sdelay $0x2  }
0x12c: {  	s30 =	sadd.s32 $0x20, s15  }
0x12d: {  	v10 =	vor.u32 s30, v2  }
0x12e: {  	v7 =	vld.idx.msk [tilespmem:v7+s11+$0x0], vm4;
	[tilespmem:v9+s11+$0x0] =	vst.idx.msk vm5, v10  }
0x12f: {  	v11 =	vld [tilespmem:s16+$0x10];
	_ =	sdelay $0x4  }
0x130: {  	vm14 =	vge.s32 v11, v0;
	vm7 =	vlt.s32 v11, v1  }
0x131: {  	v11 =	vsub.s32 v11, v0;
	vm6 =	vmand vm14, vm7  }
0x132: {  	v11 =	vnsel vm6, $0x0, v11;
	_ =	sdelay $0x2  }
0x133: {  	s31 =	sadd.s32 $0x30, s15  }
0x134: {  	v12 =	vor.u32 s31, v2  }
0x135: {  	v9 =	vld.idx.msk [tilespmem:v9+s11+$0x0], vm5;
	[tilespmem:v11+s11+$0x0] =	vst.idx.msk vm6, v12  }
0x136: {  	v11 =	vld.idx.msk [tilespmem:v11+s11+$0x0], vm6;
	_ =	sdelay $0x2  }
0x137: {  	p0 =	sne.s32 s15, $0x3FC0;
	vm15 =	vlt.s32 v5, v6;
	vm8 =	vlt.s32 v7, v8  }
.Ltmp11:
0x138: {  	vm3 =	vmand vm3, vm15;
	vm4 =	vmand vm4, vm8;
	vm12 =	vlt.s32 v9, v10;
	(pc) =	sbr.rel @p0 .LBB2_20-.Ltmp11, $4  }
0x139: {  	vm3 =	vmor vm3, vm4;
	vm13 =	vmand vm5, vm12;
	vm14 =	vlt.s32 v11, v12  }
0x13a: {  	vm3 =	vmor vm3, vm13;
	vm15 =	vmand vm6, vm14  }
0x13b: {  	vm3 =	vmor vm3, vm15  }
0x13c: {  	s15 =	sadd.s32 $0x40, s15;
	s16 =	sadd.s32 $0x40, s16;
	vm2 =	vmor vm2, vm3  }
0x13d: {  	v5 =	vsel vm2, $0x1, v3  }
0x13e: {  	v5 =	vor.u32 $0x80000000, v5  }
0x13f: {  	(xrf0) =	vmax.scan.msk.u32 $0xffff, v5;
	_ =	sdelay $0x5  }
0x140: {  	v5, _, _ =	vpop (xrf0)  }
0x141: {  	(v2sf) =	vpush v5, $0xF;
	_ =	sdelay $0xe  }
0x142: {  	s15 =	spop (v2sf)  }
0x143: {  	p0 =	slt.u32 s15, $0x80000001  }
.Ltmp12:
0x144: {  	_ = 	snop;
	(pc) =	sbr.rel @p0 .LBB2_25-.Ltmp12, $1  }
0x145: {  	_ =	sdelay $0x3  }
0x146: {  	s16 =	simm.s32 $0x1000  }
0x147: {  	s15 =	simm.s32 $0x3000;
	s17 =	simm.s32 $0x3010;
	v5 =	vld [tilespmem:s16+$0x0]  }
.LBB2_23:
0x148: {  	p0 =	sne.s32 s17, $0x3FF0;
	_ =	sdelay $0x3  }
0x149: {  	vm2 =	vge.s32 v5, v0;
	vm3 =	vlt.s32 v5, v1;
	v5 =	vshll.u32 v5, $0x4  }
0x14a: {  	vm2 =	vmand vm2, vm3;
	v5 =	vxor.u32 v4, v5  }
0x14b: {  	v6 =	vor.u32 s15, v2;
	s15 =	smov.u32 s17;
	v5 =	vnsel vm2, $0xFFFFFFFF, v5  }
0x14c: {  	(xrf1) =	vsort.ascd.msk.u32 $0xffff, v5, v6;
	_ =	sdelay $0xd  }
0x14d: {  	v5, v6, _ =	vpop (xrf1)  }
0x14e: {  	v7 =	vshra.s32 v5, $0x4  }
0x14f: {  	v7 =	vxor.u32 $0xF8000000, v7  }
0x150: {  	[tilespmem:$0x11480] =	vst v7  }
0x151: {  	v8 =	vld [tilespmem:$0x11481];
	_ =	sdelay $0x4  }
0x152: {  	vm2 =	vne.s32 v7, v8  }
0x153: {  	vm3 =	vne.s32 v5, $0xFFFFFFFF;
	vm2 =	vmor vm2, vm1  }
0x154: {  	v5 =	vsub.s32 v7, v0;
	vm2 =	vmand vm3, vm2  }
0x155: {  	v5 =	vnsel vm2, $0x0, v5;
	_ =	sdelay $0x1  }
.Ltmp13:
0x156: {  	(pc) =	sbr.rel @p0 .LBB2_23-.Ltmp13, $3  }
0x157: {  	_ =	sdelay $0x1  }
0x158: {  	s16 =	sadd.s32 $0x10, s16;
	[tilespmem:v5+s11+$0x0] =	vst.idx.msk vm2, v6  }
0x159: {  	s17 =	sadd.s32 $0x10, s17;
	v5 =	vld [tilespmem:s16+$0x0]  }
.Ltmp14:
0x15a: {  	_ = 	snop;
	(pc) =	sbr.rel .LBB2_24-.Ltmp14, $1  }
0x15b: {  	_ =	sdelay $0x3  }
.LBB2_26:
0x15c: {  	_ =	sfence.sel $0x180000  }
0x15d: {  	[bflag:$0x0] =	sbarrier.arrive $0xFFFF  }
0x15e: {  	p0 =	sne.s32 s0, $0x0;
	_ =	strace $0x90000047  }
0x15f: {  	s0 =	sadd.s32 @!p0 $0x100000, s1;
	[bflag:$0x2] =	sbarrier.arrive $0xFFFF  }
0x160: {  	[sflag:s0] =	ssyncadd.tile.s32 @!p0 $0x1;
	_ =	shalt  }
.Lfunc_end2:
_tile_overlayer_lowered:
.L_overlay_start_2:
0x161: {  	(tag) =	ssettag $0x2  }
0x162: {  	s0 =	rddreg [dreg:$0x0];
	s2 =	stileid.u32  }
0x163: {  	s1 =	rddreg [dreg:$0x1];
	p0 =	sne.s32 s2, $0x0  }
0x164: {  	s3 =	rddreg [dreg:$0x2];
	[bflag:$0x3] =	sbarrier.arrive $0xFFFF;
	s2 =	simm.s32 @!p0 $0x1C03  }
0x165: {  	[timem:s3], [sflag:s2] =	dma.local @!p0 [hbm:s0], s1  }
0x166: {  	s0 =	simm.s32 @!p0 $0x3  }
0x167: {  	_ =	swait.ge @!p0 [sflag:s0], s1  }
0x168: {  	s1 =	ssub.s32 @!p0 $0x0, s1;
	[sflag:s0] =	ssyncset.done @!p0 $0x0  }
0x169: {  	[sflag:s0] =	ssyncadd.s32 @!p0 s1  }
0x16a: {  	[bflag:$0x3] =	sbarrier.arrive $0xFFFF  }
0x16b: {  	_ =	shalt  }

// kernel: kernel.9.cloned.1.call-start
scs
__scs_entry_jumppad:
0x0: {  	(pc) =	sbr.rel $0x88, $3  }
0x1: {  	(tag) =	ssettag $0x0;
	lr =	simm.s32 $0x1  }
0x2: {  	[smem:$0x3F9F] =	sst lr;
	_ =	strace $0xD0000000  }
0x3: {  	_ = 	snop  }
0x4: {  	_ = 	snop  }
0x5: {  	_ = 	snop  }
0x6: {  	_ = 	snop  }
0x7: {  	_ = 	snop  }
__scs_overlays_trampoline_lowered:
0x8: {  	[smem:$0x3FAE] =	sst s0  }
0x9: {  	[smem:$0x3FAF] =	sst s1  }
0xa: {  	[smem:$0x3FB0] =	sst s2  }
0xb: {  	[smem:$0x3FB1] =	sst s3  }
0xc: {  	[smem:$0x3FB2] =	sst s4  }
0xd: {  	[smem:$0x3FB3] =	sst s5  }
0xe: {  	[smem:$0x3FB4] =	sst s6  }
0xf: {  	[smem:$0x3FB5] =	sst s7  }
0x10: {  	[smem:$0x3FB6] =	sst s8  }
0x11: {  	[smem:$0x3FB7] =	sst s9;
	s0 =	simm.s32 @!p0 $0x0  }
0x12: {  	s1 =	sld [smem:$0x3F9D];
	s0 =	simm.s32 @p0 $0x1  }
0x13: {  	[smem:$0x3FB8] =	sst s0;
	s0 =	simm.s32 @!p1 $0x0  }
0x14: {  	s2 =	sld [smem:$0x3F9C];
	s0 =	simm.s32 @p1 $0x1  }
0x15: {  	[smem:$0x3FB9] =	sst s0;
	s0 =	simm.s32 @!p2 $0x0  }
0x16: {  	s3 =	sld [smem:$0x3FDB];
	s0 =	simm.s32 @p2 $0x1  }
0x17: {  	s4 =	simm.s32 $0x1BF5;
	[smem:$0x3FBB] =	sst s0  }
0x18: {  	s0 =	sld [smem:$0x3F9E];
	_ =	swait.ge [sflag:s4], $0x0  }
0x19: {  	s7 =	sld [smem:$0x3F9F]  }
0x1a: {  	s8 =	sadd.s32 $0xFFFFE003, lr  }
0x1b: {  	s9 =	sadd.s32 $0xFFFFFEF7, lr;
	s5 =	simm.s32 $0xFFFFFFFF;
	p2 =	slt.u32 s8, $0xFFFFF086  }
0x1c: {  	p1 =	slt.u32 s9, $0xF7A;
	s5 =	simm.s32 @!p2 $0x0  }
0x1d: {  	s5 =	simm.s32 @p1 $0x1;
	p0 =	seq.s32 s7, s2  }
0x1e: {  	s7 =	smul.u32 @!p0 $0xF7A, s2;
	p2 =	seq.s32 @!p0 s5, $0x0  }
0x1f: {  	s9 =	smul.u32 $0xF7A, s1;
	s8 =	simm.s32 @!p0 $0x1BF5;
	p2 =	por !p2, p0  }
0x20: {  	[sflag:s8] =	ssyncset.s32 @!p0 $0xFFFFF086;
	s6 =	sadd.s32 @!p0 s3, s7;
	s7 =	simm.s32 @!p0 $0x108  }
0x21: {  	s3 =	sadd.s32 s3, s9;
	s6 =	sadd.s32 @!p0 $0x88, s6;
	s7 =	simm.s32 @p2 $0x1082  }
0x22: {  	[simem:s7], [sflag:s8] =	dma.local @!p0 [hbm:s6], $0xF7A  }
0x23: {  	s9 =	sor.u32 $0xD0000000, s2;
	s6 =	simm.s32 $0x108;
	_ =	swait.ge @!p0 [sflag:s8], $0x0  }
0x24: {  	s3 =	sadd.s32 $0x88, s3;
	s6 =	simm.s32 @!p1 $0x1082;
	[sflag:s4] =	ssyncset.s32 $0xFFFFF086  }
0x25: {  	[simem:s6], [sflag:s4] =	dma.local [hbm:s3], $0xF7A  }
0x26: {  	[smem:$0x3F9F] =	sst s1;
	(tag) =	ssettag s2;
	_ =	strace s9  }
0x27: {  	s1 =	sld [smem:$0x3FAF]  }
0x28: {  	s2 =	sld [smem:$0x3FB0]  }
0x29: {  	s4 =	sld [smem:$0x3FB2]  }
0x2a: {  	p0 =	seq.s32 s5, $0x0;
	s5 =	sld [smem:$0x3FB3]  }
0x2b: {  	s6 =	sld [smem:$0x3FB4]  }
0x2c: {  	s7 =	sld [smem:$0x3FB5]  }
0x2d: {  	s3 =	simm.s32 $0x108;
	s8 =	sld [smem:$0x3FB6]  }
0x2e: {  	s3 =	simm.s32 @!p0 $0x1082;
	s9 =	sld [smem:$0x3FB7]  }
0x2f: {  	lr =	sadd.s32 s0, s3;
	s0 =	sld [smem:$0x3FAE]  }
0x30: {  	s3 =	sld [smem:$0x3FB1]  }
0x31: {  	[smem:$0x3FBA] =	sst s10  }
0x32: {  	s10 =	sld [smem:$0x3FB8];
	_ =	sdelay $0x3  }
0x33: {  	p0 =	seq.s32 s10, $0x1;
	s10 =	sld [smem:$0x3FBA];
	_ =	sdelay $0x3  }
0x34: {  	[smem:$0x3FBA] =	sst s10  }
0x35: {  	s10 =	sld [smem:$0x3FB9];
	_ =	sdelay $0x3  }
0x36: {  	p1 =	seq.s32 s10, $0x1;
	s10 =	sld [smem:$0x3FBA];
	_ =	sdelay $0x3  }
0x37: {  	[smem:$0x3FBA] =	sst s10  }
0x38: {  	s10 =	sld [smem:$0x3FBB]  }
0x39: {  	_ = 	snop;
	(pc) =	sbr.ind lr, $3  }
0x3a: {  	_ = 	snop  }
0x3b: {  	_ = 	snop  }
0x3c: {  	p2 =	seq.s32 s10, $0x1;
	s10 =	sld [smem:$0x3FBA]  }
0x3d: {  	_ =	shalt  }
0x3e: {  	_ =	shalt  }
0x3f: {  	_ =	shalt  }
0x40: {  	_ =	shalt  }
0x41: {  	_ =	shalt  }
0x42: {  	_ =	shalt  }
0x43: {  	_ =	shalt  }
0x44: {  	_ =	shalt  }
0x45: {  	_ =	shalt  }
0x46: {  	_ =	shalt  }
0x47: {  	_ =	shalt  }
0x48: {  	_ =	shalt  }
0x49: {  	_ =	shalt  }
0x4a: {  	_ =	shalt  }
0x4b: {  	_ =	shalt  }
0x4c: {  	_ =	shalt  }
0x4d: {  	_ =	shalt  }
0x4e: {  	_ =	shalt  }
0x4f: {  	_ =	shalt  }
0x50: {  	_ =	shalt  }
0x51: {  	_ =	shalt  }
0x52: {  	_ =	shalt  }
0x53: {  	_ =	shalt  }
0x54: {  	_ =	shalt  }
0x55: {  	_ =	shalt  }
0x56: {  	_ =	shalt  }
0x57: {  	_ =	shalt  }
0x58: {  	_ =	shalt  }
0x59: {  	_ =	shalt  }
0x5a: {  	_ =	shalt  }
0x5b: {  	_ =	shalt  }
0x5c: {  	_ =	shalt  }
0x5d: {  	_ =	shalt  }
0x5e: {  	_ =	shalt  }
0x5f: {  	_ =	shalt  }
0x60: {  	_ =	shalt  }
0x61: {  	_ =	shalt  }
0x62: {  	_ =	shalt  }
0x63: {  	_ =	shalt  }
0x64: {  	_ =	shalt  }
0x65: {  	_ =	shalt  }
0x66: {  	_ =	shalt  }
0x67: {  	_ =	shalt  }
0x68: {  	_ =	shalt  }
0x69: {  	_ =	shalt  }
0x6a: {  	_ =	shalt  }
0x6b: {  	_ =	shalt  }
0x6c: {  	_ =	shalt  }
0x6d: {  	_ =	shalt  }
0x6e: {  	_ =	shalt  }
0x6f: {  	_ =	shalt  }
0x70: {  	_ =	shalt  }
0x71: {  	_ =	shalt  }
0x72: {  	_ =	shalt  }
0x73: {  	_ =	shalt  }
0x74: {  	_ =	shalt  }
0x75: {  	_ =	shalt  }
0x76: {  	_ =	shalt  }
0x77: {  	_ =	shalt  }
0x78: {  	_ =	shalt  }
0x79: {  	_ =	shalt  }
0x7a: {  	_ =	shalt  }
0x7b: {  	_ =	shalt  }
0x7c: {  	_ =	shalt  }
0x7d: {  	_ =	shalt  }
0x7e: {  	_ =	shalt  }
0x7f: {  	_ =	shalt  }
0x80: {  	_ =	shalt  }
0x81: {  	_ =	shalt  }
0x82: {  	_ =	shalt  }
0x83: {  	_ =	shalt  }
0x84: {  	_ =	shalt  }
0x85: {  	_ =	shalt  }
0x86: {  	_ =	shalt  }
0x87: {  	_ =	shalt  }
.Lfunc_end0:
.L_simem_size_0:
called_computation.1_lowered:
.L_overlay_start_0:
0x88: {  	s2 =	sld [smem:$0x3FD9]  }
0x89: {  	s3 =	sld [smem:$0x3FFE];
	_ =	sdelay $0x1  }
0x8a: {  	s1 =	srdreg.scid  }
0x8b: {  	s0 =	sand.u32 $0x1, s1  }
0x8c: {  	s17 =	sshll.u32 s0, $0xA;
	s2 =	sadd.s32 s3, s2  }
0x8d: {  	s2 =	sadd.s32 s2, s17  }
0x8e: {  	[smem:$0x3FC6] =	sst s2  }
0x8f: {  	_ = 	snop  }
0x90: {  	s2 =	sld [smem:$0x3FC9];
	(tm) =	ssettm $0x1  }
0x91: {  	s18 =	sld [smem:$0x3FFB];
	_ =	sdelay $0x3  }
0x92: {  	_ =	strace s18  }
0x93: {  	s3 =	sld [smem:$0x3FFC];
	_ =	sdelay $0x3  }
0x94: {  	_ =	strace s3  }
0x95: {  	s3 =	sld [smem:$0x3FFD];
	_ =	sdelay $0x3  }
0x96: {  	_ =	strace s3  }
0x97: {  	_ =	strace $0x8FFFFFFF  }
0x98: {  	s19 =	sld [smem:$0x3FDB];
	_ =	sdelay $0x1  }
0x99: {  	s4 =	simm.s32 $_scs_section_size  }
0x9a: {  	s5 =	simm.s32 $_size__tile_overlayer_lowered;
	s6 =	simm.s32 $_tile_overlayer_lowered  }
0x9b: {  	s22 =	simm.s32 $0x1BFF;
	s21 =	sshll.u32 s6, $0x1;
	s3 =	sadd.s32 s4, s19  }
0x9c: {  	s7 =	simm.s32 $0x0;
	s20 =	sshll.u32 s5, $0x1;
	s5 =	sadd.s32 s21, s3  }
0x9d: {  	[timem:s7], [sflag:s22] =	dma.local [hbm:s5], s20  }
0x9e: {  	_ =	swait.ge [sflag:s22], s20  }
0x9f: {  	s4 =	ssub.s32 $0x0, s20;
	[sflag:s22] =	ssyncset.done $0x0  }
0xa0: {  	[sflag:s22] =	ssyncadd.s32 s4;
	_ =	sdelay $0x1  }
0xa1: {  	s23 =	simm.s32 $0x1B8B  }
0xa2: {  	_ =	swait.ge [sflag:s23], $0x1  }
0xa3: {  	[sflag:s23] =	ssyncset.done $0x0  }
0xa4: {  	s25 =	simm.s32 $0x1B8E;
	s24 =	sld [smem:$0x3FFE];
	[sflag:s23] =	ssyncadd.s32 $0xFFFFFFFF  }
0xa5: {  	s26 =	simm.s32 $execute0_lowered;
	[smem:$0x3FD2] =	sst s25  }
0xa6: {  	s5 =	sshll.u32 s26, $0x1;
	_ =	strace $0x80000049;
	[dreg:$0x1] =	wrdreg $0xFFFFFFFF  }
0xa7: {  	s28 =	simm.s32 $_size_execute0_lowered;
	s3 =	sadd.s32 s3, s5;
	[dreg:$0x0] =	wrdreg $0x0  }
0xa8: {  	s5 =	sshll.u32 s28, $0x1;
	[dreg:$0x2] =	wrdreg s3  }
0xa9: {  	[dreg:$0x3] =	wrdreg s5  }
0xaa: {  	[dreg:$0x4] =	wrdreg $0xC0  }
0xab: {  	_ =	task [dreg:s7], $0x5FFFF  }
0xac: {  	[dreg:$0x1] =	wrdreg $0xFFFFFFFF  }
0xad: {  	[dreg:$0x0] =	wrdreg $0x60  }
0xae: {  	[dreg:$0x2] =	wrdreg s2  }
0xaf: {  	[dreg:$0x3] =	wrdreg s24  }
0xb0: {  	[dreg:$0x4] =	wrdreg $0x9  }
0xb1: {  	_ =	task.clear_ibuf [dreg:s7], $0x5FFFF;
	_ =	strace $0x90000049  }
0xb2: {  	s29 =	simm.s32 $0x9;
	_ =	strace $0x8000004B  }
0xb3: {  	_ =	swait.ge [sflag:s29], $0x1  }
0xb4: {  	[sflag:s29] =	ssyncadd.s32 $0xFFFFFFFF  }
0xb5: {  	_ =	strace $0x9000004B  }
0xb6: {  	_ =	sfence  }
0xb7: {  	s30 =	sld [smem:$0x0];
	_ =	sdelay $0x2  }
0xb8: {  	s31 =	sshll.u32 s1, $0xD;
	s1 =	sshrl.u32 s1, $0x2  }
0xb9: {  	s3 =	sand.u32 $0x4000, s31;
	s1 =	sadd.s32 s1, s30  }
0xba: {  	s0 =	sor.u32 s3, s0;
	s1 =	sshll.u32 s1, $0x11  }
0xbb: {  	s0 =	sor.u32 s1, s0  }
0xbc: {  	s0 =	sadd.s32 $0x8F2B, s0  }
0xbd: {  	[sflag:s0] =	ssyncadd.remote.s32 $0x1  }
0xbe: {  	_ =	sfence.sel $0xFFFF  }
0xbf: {  	[dreg:$0x0] =	wrdreg $0xFFFFFFFF;
	(pc) =	sbr.abs _section_cstart, $3  }
0xc0: {  	[dreg:$0x1] =	wrdreg $0xFFFFFFFF  }
0xc1: {  	_ =	task.clear_ibuf [dreg:s7], $0x2FFFF;
	_ =	strace $0x9FFFFFFF  }
0xc2: {  	(tm) =	ssettm $0x7FFFFFFF  }
0xc3: {  	_ =	shalt  }
tec
execute0_lowered:
.L_overlay_start_1:
0x0: {  	(tag) =	ssettag $0x1  }
0x1: {  	s1 =	srdreg.scid  }
0x2: {  	s3 =	rddreg [dreg:$0x0];
	s0 =	stileid.u32;
	s22 =	sand.u32 $0x1, s1  }
0x3: {  	s18 =	rddreg [dreg:$0x1];
	s4 =	sshll.u32 s0, $0xA;
	s5 =	sshll.u32 s22, $0x9  }
0x4: {  	s2 =	simm.s32 $0x0;
	s1 =	rddreg [dreg:$0x2];
	s19 =	sor.u32 s5, s4  }
0x5: {  	[smem:$0x7FF] =	sst s2;
	s4 =	sshrl.u32 s19, $0x3  }
0x6: {  	_ =	strace $0x8000004A;
	s4 =	sadd.s32 s3, s4;
	s3 =	simm.s32 $0x4  }
0x7: {  	[tilespmem:s2], [sflag:$0x4] =	stream.linear.gather [hbm4b:s4+s2], $0x200, $0x38;
	[tilespmem:$0x8400] =	vst v63  }
0x8: {  	_ =	swait.ge [sflag:s3], $0x200  }
0x9: {  	s6 =	simm.s32 $0x80;
	[sflag:s3] =	ssyncset.done $0x0  }
0xa: {  	s7 =	simm.s32 $0x200;
	s5 =	sadd.s32 $0x1600, s18;
	[sflag:s3] =	ssyncadd.s32 $0xFFFFFE00  }
0xb: {  	[tilespmem:s7], [sflag:$0x1] =	stream.indirect.gather [hbm4b:s5+s6], $0x1, s2, s6, $0xb8;
	[tilespmem:$0x8400] =	vst v63  }
0xc: {  	s8 =	simm.s32 $0x280  }
0xd: {  	[tilespmem:s8], [sflag:$0x1] =	stream.indirect.gather [hbm4b:s5+s6], $0x1, s6, s6, $0xb8;
	[tilespmem:$0x8400] =	vst v63  }
0xe: {  	s9 =	simm.s32 $0x100;
	s10 =	simm.s32 $0x300  }
0xf: {  	[tilespmem:s10], [sflag:$0x1] =	stream.indirect.gather [hbm4b:s5+s6], $0x1, s9, s6, $0xb8;
	[tilespmem:$0x8400] =	vst v63  }
0x10: {  	s11 =	simm.s32 $0x180;
	s12 =	simm.s32 $0x380;
	s13 =	simm.s32 $0x1  }
0x11: {  	[tilespmem:s12], [sflag:$0x1] =	stream.indirect.gather [hbm4b:s5+s6], $0x1, s11, s6, $0xb8;
	[tilespmem:$0x8400] =	vst v63  }
0x12: {  	_ =	swait.ge [sflag:s13], $0x80  }
0x13: {  	[sflag:s13] =	ssyncset.done $0x0  }
0x14: {  	[sflag:s13] =	ssyncadd.s32 $0xFFFFFF80  }
0x15: {  	_ =	swait.ge [sflag:s13], $0x80  }
0x16: {  	[sflag:s13] =	ssyncset.done $0x0  }
0x17: {  	[sflag:s13] =	ssyncadd.s32 $0xFFFFFF80  }
0x18: {  	_ =	swait.ge [sflag:s13], $0x80  }
0x19: {  	[sflag:s13] =	ssyncset.done $0x0  }
0x1a: {  	[sflag:s13] =	ssyncadd.s32 $0xFFFFFF80  }
0x1b: {  	_ =	swait.ge [sflag:s13], $0x80  }
0x1c: {  	[sflag:s13] =	ssyncset.done $0x0  }
0x1d: {  	s15 =	simm.s32 $0x400;
	s14 =	sadd.s32 $0x20000, s18;
	[sflag:s13] =	ssyncadd.s32 $0xFFFFFF80  }
0x1e: {  	[tilespmem:s15], [sflag:$0x2] =	stream.indirect.gather [hbm4b:s14+s6], $0x80, s7, s6, $0xb8;
	[tilespmem:$0x8400] =	vst v63  }
0x1f: {  	s16 =	simm.s32 $0x4400;
	s17 =	simm.s32 $0x2  }
0x20: {  	[tilespmem:s16], [sflag:$0x3] =	stream.indirect.gather [hbm4b:s14+s6], $0x80, s8, s6, $0xb8;
	[tilespmem:$0x8400] =	vst v63  }
0x21: {  	s19 =	sshll.u32 s19, $0x4;
	_ =	swait.ge [sflag:s17], $0x4000  }
0x22: {  	s23 =	sadd.s32 s19, s18;
	[sflag:s17] =	ssyncset.done $0x0  }
0x23: {  	s18 =	sadd.s32 $0x60000, s23;
	[sflag:s17] =	ssyncadd.s32 $0xFFFFC000  }
0x24: {  	[hbm4b:s18+s2] =	stream.linear.scatter [tilespmem:s15], [sflag:$0x4], $0x4000, $0x38;
	[tilespmem:$0x8400] =	vst v63  }
0x25: {  	_ =	swait.ge [sflag:s3], $0x4000  }
0x26: {  	[sflag:s3] =	ssyncset.done $0x0  }
0x27: {  	s19 =	simm.s32 $0x3;
	[sflag:s3] =	ssyncadd.s32 $0xFFFFC000  }
0x28: {  	[tilespmem:s15], [sflag:$0x2] =	stream.indirect.gather [hbm4b:s14+s6], $0x80, s10, s6, $0xb8;
	[tilespmem:$0x8400] =	vst v63  }
0x29: {  	_ =	swait.ge [sflag:s19], $0x4000  }
0x2a: {  	[sflag:s19] =	ssyncset.done $0x0  }
0x2b: {  	s20 =	sadd.s32 $0x60800, s23;
	[sflag:s19] =	ssyncadd.s32 $0xFFFFC000  }
0x2c: {  	[hbm4b:s20+s2] =	stream.linear.scatter [tilespmem:s16], [sflag:$0x4], $0x4000, $0x38;
	[tilespmem:$0x8400] =	vst v63  }
0x2d: {  	_ =	swait.ge [sflag:s3], $0x4000  }
0x2e: {  	[sflag:s3] =	ssyncset.done $0x0  }
0x2f: {  	[sflag:s3] =	ssyncadd.s32 $0xFFFFC000  }
0x30: {  	[tilespmem:s16], [sflag:$0x3] =	stream.indirect.gather [hbm4b:s14+s6], $0x80, s12, s6, $0xb8;
	[tilespmem:$0x8400] =	vst v63  }
0x31: {  	_ =	swait.ge [sflag:s17], $0x4000  }
0x32: {  	[sflag:s17] =	ssyncset.done $0x0  }
0x33: {  	s22 =	ssub.s32 $0x2, s22;
	s21 =	sadd.s32 $0x61000, s23;
	[sflag:s17] =	ssyncadd.s32 $0xFFFFC000  }
0x34: {  	[hbm4b:s21+s2] =	stream.linear.scatter [tilespmem:s15], [sflag:$0x4], $0x4000, $0x38;
	[tilespmem:$0x8400] =	vst v63  }
0x35: {  	s24 =	sshrl.u32 s22, $0x1;
	_ =	swait.ge [sflag:s3], $0x4000  }
0x36: {  	s24 =	ssub.s32 s22, s24;
	[sflag:s3] =	ssyncset.done $0x0  }
0x37: {  	s31 =	smax.u32 s24, $0x1;
	[sflag:s3] =	ssyncadd.s32 $0xFFFFC000  }
0x38: {  	p0 =	sne.s32 s31, $0x1;
	_ =	swait.ge [sflag:s19], $0x4000  }
.Ltmp0:
0x39: {  	[sflag:s19] =	ssyncset.done $0x0;
	(pc) =	sbr.rel @!p0 .LBB2_2-.Ltmp0, $4  }
0x3a: {  	s22 =	sadd.s32 $0x61800, s23;
	[sflag:s19] =	ssyncadd.s32 $0xFFFFC000  }
0x3b: {  	[hbm4b:s22+s2] =	stream.linear.scatter [tilespmem:s16], [sflag:$0x4], $0x4000, $0x38;
	[tilespmem:$0x8400] =	vst v63  }
0x3c: {  	_ =	swait.ge [sflag:s3], $0x4000  }
0x3d: {  	s23 =	sadd.s32 $0xFFFFFFFF, s31;
	[sflag:s3] =	ssyncset.done $0x0  }
.LBB2_1:
0x3e: {  	p0 =	sne.s32 s23, $0x1;
	s23 =	sadd.s32 $0xFFFFFFFF, s23;
	[sflag:s3] =	ssyncadd.s32 $0xFFFFC000  }
0x3f: {  	[tilespmem:s2], [sflag:$0x4] =	stream.linear.gather [hbm4b:s4+s2], $0x200, $0x38;
	[tilespmem:$0x8400] =	vst v63  }
0x40: {  	_ =	swait.ge [sflag:s3], $0x200  }
0x41: {  	[sflag:s3] =	ssyncset.done $0x0  }
0x42: {  	[sflag:s3] =	ssyncadd.s32 $0xFFFFFE00  }
0x43: {  	[tilespmem:s7], [sflag:$0x1] =	stream.indirect.gather [hbm4b:s5+s6], $0x1, s2, s6, $0xb8;
	[tilespmem:$0x8400] =	vst v63  }
0x44: {  	_ = 	snop  }
0x45: {  	[tilespmem:s8], [sflag:$0x1] =	stream.indirect.gather [hbm4b:s5+s6], $0x1, s6, s6, $0xb8;
	[tilespmem:$0x8400] =	vst v63  }
0x46: {  	_ = 	snop  }
0x47: {  	[tilespmem:s10], [sflag:$0x1] =	stream.indirect.gather [hbm4b:s5+s6], $0x1, s9, s6, $0xb8;
	[tilespmem:$0x8400] =	vst v63  }
0x48: {  	_ = 	snop  }
0x49: {  	[tilespmem:s12], [sflag:$0x1] =	stream.indirect.gather [hbm4b:s5+s6], $0x1, s11, s6, $0xb8;
	[tilespmem:$0x8400] =	vst v63  }
0x4a: {  	_ =	swait.ge [sflag:s13], $0x80  }
0x4b: {  	[sflag:s13] =	ssyncset.done $0x0  }
0x4c: {  	[sflag:s13] =	ssyncadd.s32 $0xFFFFFF80  }
0x4d: {  	_ =	swait.ge [sflag:s13], $0x80  }
0x4e: {  	[sflag:s13] =	ssyncset.done $0x0  }
0x4f: {  	[sflag:s13] =	ssyncadd.s32 $0xFFFFFF80  }
0x50: {  	_ =	swait.ge [sflag:s13], $0x80  }
0x51: {  	[sflag:s13] =	ssyncset.done $0x0  }
0x52: {  	[sflag:s13] =	ssyncadd.s32 $0xFFFFFF80  }
0x53: {  	_ =	swait.ge [sflag:s13], $0x80  }
0x54: {  	[sflag:s13] =	ssyncset.done $0x0  }
0x55: {  	[sflag:s13] =	ssyncadd.s32 $0xFFFFFF80  }
0x56: {  	[tilespmem:s15], [sflag:$0x2] =	stream.indirect.gather [hbm4b:s14+s6], $0x80, s7, s6, $0xb8;
	[tilespmem:$0x8400] =	vst v63  }
0x57: {  	_ = 	snop  }
0x58: {  	[tilespmem:s16], [sflag:$0x3] =	stream.indirect.gather [hbm4b:s14+s6], $0x80, s8, s6, $0xb8;
	[tilespmem:$0x8400] =	vst v63  }
0x59: {  	_ =	swait.ge [sflag:s17], $0x4000  }
0x5a: {  	[sflag:s17] =	ssyncset.done $0x0  }
0x5b: {  	[sflag:s17] =	ssyncadd.s32 $0xFFFFC000  }
0x5c: {  	[hbm4b:s18+s2] =	stream.linear.scatter [tilespmem:s15], [sflag:$0x4], $0x4000, $0x38;
	[tilespmem:$0x8400] =	vst v63  }
0x5d: {  	_ =	swait.ge [sflag:s3], $0x4000  }
0x5e: {  	[sflag:s3] =	ssyncset.done $0x0  }
0x5f: {  	[sflag:s3] =	ssyncadd.s32 $0xFFFFC000  }
0x60: {  	[tilespmem:s15], [sflag:$0x2] =	stream.indirect.gather [hbm4b:s14+s6], $0x80, s10, s6, $0xb8;
	[tilespmem:$0x8400] =	vst v63  }
0x61: {  	_ =	swait.ge [sflag:s19], $0x4000  }
0x62: {  	[sflag:s19] =	ssyncset.done $0x0  }
0x63: {  	[sflag:s19] =	ssyncadd.s32 $0xFFFFC000  }
0x64: {  	[hbm4b:s20+s2] =	stream.linear.scatter [tilespmem:s16], [sflag:$0x4], $0x4000, $0x38;
	[tilespmem:$0x8400] =	vst v63  }
0x65: {  	_ =	swait.ge [sflag:s3], $0x4000  }
0x66: {  	[sflag:s3] =	ssyncset.done $0x0  }
0x67: {  	[sflag:s3] =	ssyncadd.s32 $0xFFFFC000  }
0x68: {  	[tilespmem:s16], [sflag:$0x3] =	stream.indirect.gather [hbm4b:s14+s6], $0x80, s12, s6, $0xb8;
	[tilespmem:$0x8400] =	vst v63  }
0x69: {  	_ =	swait.ge [sflag:s17], $0x4000  }
0x6a: {  	[sflag:s17] =	ssyncset.done $0x0  }
0x6b: {  	[sflag:s17] =	ssyncadd.s32 $0xFFFFC000  }
0x6c: {  	[hbm4b:s21+s2] =	stream.linear.scatter [tilespmem:s15], [sflag:$0x4], $0x4000, $0x38;
	[tilespmem:$0x8400] =	vst v63  }
0x6d: {  	_ =	swait.ge [sflag:s3], $0x4000  }
0x6e: {  	[sflag:s3] =	ssyncset.done $0x0  }
0x6f: {  	[sflag:s3] =	ssyncadd.s32 $0xFFFFC000  }
0x70: {  	_ =	swait.ge [sflag:s19], $0x4000  }
.Ltmp1:
0x71: {  	[sflag:s19] =	ssyncset.done $0x0;
	(pc) =	sbr.rel @p0 .LBB2_1-.Ltmp1, $4  }
0x72: {  	[sflag:s19] =	ssyncadd.s32 $0xFFFFC000  }
0x73: {  	[hbm4b:s22+s2] =	stream.linear.scatter [tilespmem:s16], [sflag:$0x4], $0x4000, $0x38;
	[tilespmem:$0x8400] =	vst v63  }
0x74: {  	_ =	swait.ge [sflag:s3], $0x4000  }
0x75: {  	[sflag:s3] =	ssyncset.done $0x0  }
.LBB2_2:
0x76: {  	[sflag:s3] =	ssyncadd.s32 $0xFFFFC000  }
0x77: {  	_ =	sfence.sel $0x180000  }
0x78: {  	[bflag:$0x0] =	sbarrier.arrive $0xFFFF  }
0x79: {  	p0 =	sne.s32 s0, $0x0;
	_ =	strace $0x9000004A  }
0x7a: {  	s0 =	sadd.s32 @!p0 $0x100000, s1;
	[bflag:$0x2] =	sbarrier.arrive $0xFFFF  }
0x7b: {  	[sflag:s0] =	ssyncadd.tile.s32 @!p0 $0x1;
	_ =	shalt  }
.Lfunc_end2:
_tile_overlayer_lowered:
.L_overlay_start_2:
0x7c: {  	(tag) =	ssettag $0x2  }
0x7d: {  	s0 =	rddreg [dreg:$0x0];
	s2 =	stileid.u32  }
0x7e: {  	s1 =	rddreg [dreg:$0x1];
	p0 =	sne.s32 s2, $0x0  }
0x7f: {  	s3 =	rddreg [dreg:$0x2];
	[bflag:$0x3] =	sbarrier.arrive $0xFFFF;
	s2 =	simm.s32 @!p0 $0x1C04  }
0x80: {  	[timem:s3], [sflag:s2] =	dma.local @!p0 [hbm:s0], s1  }
0x81: {  	s0 =	simm.s32 @!p0 $0x4  }
0x82: {  	_ =	swait.ge @!p0 [sflag:s0], s1  }
0x83: {  	s1 =	ssub.s32 @!p0 $0x0, s1;
	[sflag:s0] =	ssyncset.done @!p0 $0x0  }
0x84: {  	[sflag:s0] =	ssyncadd.s32 @!p0 s1  }
0x85: {  	[bflag:$0x3] =	sbarrier.arrive $0xFFFF  }
0x86: {  	_ =	shalt  }

</sc_bundles>
